<compile_context>
chip_gen: v7x
topology: tpu7x:2x2x1
jax: 0.10.2.dev20260603
libtpu: 0.0.44.dev20260713+nightly
codegen_flags: <defaults>
</compile_context>

<pallas_src>
import functools

import jax
import jax.numpy as jnp
import numpy as np
from jax.experimental import pallas as pl

N0 = 50000
N1 = 10242
CIN = 128
CC = 16
HID = 128
LAT = 32
HEADS = 8
DH = HID // HEADS
SAT_BOUND = 5.0


def _layernorm(x):
    m = x.mean(-1, keepdims=True)
    v = x.var(-1, keepdims=True)
    return (x - m) * jax.lax.rsqrt(v + 1e-5)



def _stage_a_body(x_ref, feat_ref, wce_ref, bce_ref, wk_ref, wv_ref,
                  x0_ref, k_ref, v_ref):
    feat = feat_ref[...]
    x0 = x_ref[...] + jnp.sin(
        jnp.dot(feat, wce_ref[...], preferred_element_type=jnp.float32)
        + bce_ref[...])
    x0_ref[...] = x0
    ln = _layernorm(x0)
    k_ref[...] = jnp.dot(ln, wk_ref[...], preferred_element_type=jnp.float32)
    v_ref[...] = jnp.dot(ln, wv_ref[...], preferred_element_type=jnp.float32)


def _stage_a(x, feat, wce, bce, wk, wv, block):
    n = x.shape[0]
    grid = n // block
    f = feat.shape[1]
    return pl.pallas_call(
        _stage_a_body,
        grid=(grid,),
        in_specs=[
            pl.BlockSpec((block, CIN), lambda i: (i, 0)),
            pl.BlockSpec((block, f), lambda i: (i, 0)),
            pl.BlockSpec((f, CIN), lambda i: (0, 0)),
            pl.BlockSpec((1, CIN), lambda i: (0, 0)),
            pl.BlockSpec((CIN, HID), lambda i: (0, 0)),
            pl.BlockSpec((CIN, HID), lambda i: (0, 0)),
        ],
        out_specs=[
            pl.BlockSpec((block, CIN), lambda i: (i, 0)),
            pl.BlockSpec((block, HID), lambda i: (i, 0)),
            pl.BlockSpec((block, HID), lambda i: (i, 0)),
        ],
        out_shape=[
            jax.ShapeDtypeStruct((n, CIN), jnp.float32),
            jax.ShapeDtypeStruct((n, HID), jnp.float32),
            jax.ShapeDtypeStruct((n, HID), jnp.float32),
        ],
    )(x, feat, wce, bce, wk, wv)


def _nbr_attention_pre(q, kk, vv):
    nq, k, _ = kk.shape
    qh = q.reshape(nq, HEADS, DH)
    kh = kk.reshape(nq, k, HEADS, DH)
    vh = vv.reshape(nq, k, HEADS, DH)
    logits = jnp.einsum("nhd,nkhd->nhk", qh, kh) / float(np.sqrt(DH))
    w = jax.nn.softmax(logits, axis=-1)
    return jnp.einsum("nhk,nkhd->nhd", w, vh).reshape(nq, HID)


def kernel(x, context, coord4_grid, coord4_ico, params, pool_nbrs, sa_nbrs,
           dec_nbrs, enc_q_idx, dec_q_idx):
    feat_grid = jnp.concatenate([coord4_grid, context], axis=-1)
    pe = params["enc_pool"]
    x0, K0, V0 = _stage_a(x, feat_grid, params["Wce0"],
                          params["bce0"].reshape(1, CIN), pe["Wk"], pe["Wv"],
                          block=2000)

    xq0 = jnp.take(x0, enc_q_idx, axis=0)
    q0 = _layernorm(xq0) @ pe["Wq"]
    kk = jnp.take(K0, pool_nbrs, axis=0)
    vv = jnp.take(V0, pool_nbrs, axis=0)
    h = xq0 @ pe["Wskip"] + _nbr_attention_pre(q0, kk, vv) @ pe["Wo"]

    ctx_ico = jnp.take(context, enc_q_idx, axis=0)
    feat_ico = jnp.concatenate([coord4_ico, ctx_ico], axis=-1)
    h = h + jnp.sin(feat_ico @ params["Wce1"] + params["bce1"])

    for p in params["enc_sa"]:
        hn = _layernorm(h)
        kk = jnp.take(hn @ p["Wk"], sa_nbrs, axis=0)
        vv = jnp.take(hn @ p["Wv"], sa_nbrs, axis=0)
        h = h + _nbr_attention_pre(hn @ p["Wq"], kk, vv) @ p["Wo"]

    z = h @ params["Wlat"] + params["blat"]
    z = z * jax.lax.rsqrt(1.0 + (z / SAT_BOUND) ** 2)
    g = z @ params["Wdlat"] + params["bdlat"]
    g = g + jnp.sin(feat_ico @ params["Wcd1"] + params["bcd1"])

    for p in params["dec_sa"]:
        gn = _layernorm(g)
        kk = jnp.take(gn @ p["Wk"], sa_nbrs, axis=0)
        vv = jnp.take(gn @ p["Wv"], sa_nbrs, axis=0)
        g = g + _nbr_attention_pre(gn @ p["Wq"], kk, vv) @ p["Wo"]

    pd = params["dec_pool"]
    gn = _layernorm(g)
    Kd = gn @ pd["Wk"]
    Vd = gn @ pd["Wv"]
    xqd = jnp.take(g, dec_q_idx, axis=0)
    qd = _layernorm(xqd) @ pd["Wq"]
    kk = jnp.take(Kd, dec_nbrs, axis=0)
    vv = jnp.take(Vd, dec_nbrs, axis=0)
    out = xqd @ pd["Wskip"] + _nbr_attention_pre(qd, kk, vv) @ pd["Wo"]
    return out

# --- scband reference (transcript-rebuilt; emitter-appended) ---
"""Pipeline reference for scband-graph-ae-1022202217237 (READ-ONLY COPY).

The authoritative reference and input builder live on the scoring server;
editing this copy changes nothing except your own understanding.
"""

import jax, jax.numpy as jnp
import numpy as np

N0 = 50000
N1 = 10242
CIN = 128
CC = 16
HID = 128
LAT = 32
HEADS = 8
SAT_BOUND = 5.0


def _w(k, fi, fo):
    return jax.random.normal(k, (fi, fo), dtype=jnp.float32) / jnp.sqrt(float(fi))


def setup_inputs(seed: int = 0) -> dict:
    key = jax.random.key(seed)
    ks = jax.random.split(key, 48)
    x = jax.random.normal(ks[0], (N0, CIN), dtype=jnp.float32)
    context = jax.random.normal(ks[1], (N0, CC), dtype=jnp.float32)
    coord4_grid = jax.random.normal(ks[2], (N0, 4), dtype=jnp.float32)
    coord4_ico = jax.random.normal(ks[3], (N1, 4), dtype=jnp.float32)
    pool_nbrs = jax.random.randint(ks[4], (N1, 32), 0, N0)
    sa_nbrs = jax.random.randint(ks[5], (N1, 12), 0, N1)
    dec_nbrs = jax.random.randint(ks[6], (N0, 8), 0, N1)
    enc_q_idx = jax.random.randint(ks[7], (N1,), 0, N0)
    dec_q_idx = jax.random.randint(ks[8], (N0,), 0, N1)
    idx = [9]
    def nw(fi, fo):
        w = _w(ks[idx[0]], fi, fo)
        idx[0] += 1
        return w
    def attn_params(cq, ck, cout):
        return {"Wq": nw(cq, HID), "Wk": nw(ck, HID), "Wv": nw(ck, HID), "Wo": nw(HID, cout)}
    params = {
        "Wce0": nw(4 + CC, CIN), "bce0": jnp.zeros((CIN,), jnp.float32),
        "Wce1": nw(4 + CC, HID), "bce1": jnp.zeros((HID,), jnp.float32),
        "Wcd1": nw(4 + CC, HID), "bcd1": jnp.zeros((HID,), jnp.float32),
        "enc_pool": dict(attn_params(CIN, CIN, HID), Wskip=nw(CIN, HID)),
        "enc_sa": [attn_params(HID, HID, HID) for _ in range(2)],
        "Wlat": nw(HID, LAT), "blat": jnp.zeros((LAT,), jnp.float32),
        "Wdlat": nw(LAT, HID), "bdlat": jnp.zeros((HID,), jnp.float32),
        "dec_sa": [attn_params(HID, HID, HID) for _ in range(2)],
        "dec_pool": dict(attn_params(HID, HID, CIN), Wskip=nw(HID, CIN)),
    }
    return {"x": x, "context": context, "coord4_grid": coord4_grid, "coord4_ico": coord4_ico,
            "params": params, "pool_nbrs": pool_nbrs, "sa_nbrs": sa_nbrs, "dec_nbrs": dec_nbrs,
            "enc_q_idx": enc_q_idx, "dec_q_idx": dec_q_idx}


def _layernorm(x):
    m = x.mean(-1, keepdims=True)
    v = x.var(-1, keepdims=True)
    return (x - m) * jax.lax.rsqrt(v + 1e-5)


def _siren(feat, W, b):
    return jnp.sin(feat @ W + b)


def _nbr_attention(xq, xk, nbrs, p):
    Nq = xq.shape[0]
    K = nbrs.shape[1]
    dh = HID // HEADS
    q = (xq @ p["Wq"]).reshape(Nq, HEADS, dh)
    kk = jnp.take(xk @ p["Wk"], nbrs, axis=0).reshape(Nq, K, HEADS, dh)
    vv = jnp.take(xk @ p["Wv"], nbrs, axis=0).reshape(Nq, K, HEADS, dh)
    logits = jnp.einsum("nhd,nkhd->nhk", q, kk) / float(np.sqrt(dh))
    w = jax.nn.softmax(logits, axis=-1)
    out = jnp.einsum("nhk,nkhd->nhd", w, vv).reshape(Nq, HID)
    return out @ p["Wo"]


def _forward(x, context, coord4_grid, coord4_ico, params, pool_nbrs, sa_nbrs, dec_nbrs, enc_q_idx, dec_q_idx):
    feat_grid = jnp.concatenate([coord4_grid, context], axis=-1)
    x0 = x + _siren(feat_grid, params["Wce0"], params["bce0"])
    xq0 = jnp.take(x0, enc_q_idx, axis=0)
    h = xq0 @ params["enc_pool"]["Wskip"] + _nbr_attention(_layernorm(xq0), _layernorm(x0), pool_nbrs, params["enc_pool"])
    ctx_ico = jnp.take(context, enc_q_idx, axis=0)
    feat_ico = jnp.concatenate([coord4_ico, ctx_ico], axis=-1)
    h = h + _siren(feat_ico, params["Wce1"], params["bce1"])
    for p in params["enc_sa"]:
        hn = _layernorm(h)
        h = h + _nbr_attention(hn, hn, sa_nbrs, p)
    z = h @ params["Wlat"] + params["blat"]
    z = z * jax.lax.rsqrt(1.0 + (z / SAT_BOUND) ** 2)
    g = z @ params["Wdlat"] + params["bdlat"]
    g = g + _siren(feat_ico, params["Wcd1"], params["bcd1"])
    for p in params["dec_sa"]:
        gn = _layernorm(g)
        g = g + _nbr_attention(gn, gn, sa_nbrs, p)
    xqd = jnp.take(g, dec_q_idx, axis=0)
    out = xqd @ params["dec_pool"]["Wskip"] + _nbr_attention(_layernorm(xqd), _layernorm(g), dec_nbrs, params["dec_pool"])
    return out


def reference(x, context, coord4_grid, coord4_ico, params, pool_nbrs, sa_nbrs, dec_nbrs, enc_q_idx, dec_q_idx):
    return _forward(x, context, coord4_grid, coord4_ico, params, pool_nbrs, sa_nbrs, dec_nbrs, enc_q_idx, dec_q_idx)

if __name__ == "__main__":
    import jax
    _d = setup_inputs()
    print(jax.jit(kernel)(*tuple(_d.values())))

</pallas_src>

<mosaic_0001>
module attributes {stable_mosaic.version = 14 : i64} {
  func.func @_stage_a_body(%arg0: i32, %arg1: memref<2000x128xf32, #tpu.memory_space<vmem>>, %arg2: memref<2000x20xf32, #tpu.memory_space<vmem>>, %arg3: memref<20x128xf32, #tpu.memory_space<vmem>>, %arg4: memref<1x128xf32, #tpu.memory_space<vmem>>, %arg5: memref<128x128xf32, #tpu.memory_space<vmem>>, %arg6: memref<128x128xf32, #tpu.memory_space<vmem>>, %arg7: memref<2000x128xf32, #tpu.memory_space<vmem>>, %arg8: memref<2000x128xf32, #tpu.memory_space<vmem>>, %arg9: memref<2000x128xf32, #tpu.memory_space<vmem>>) attributes {dimension_semantics = [#tpu.dimension_semantics<arbitrary>], iteration_bounds = array<i64: 25>, scalar_prefetch = 0 : i64, scratch_operands = 0 : i64, tpu.core_type = #tpu.core_type<tc>, window_params = [{transform_indices = @transform_0, window_bounds = array<i64: 2000, 128>}, {transform_indices = @transform_1, window_bounds = array<i64: 2000, 20>}, {pipeline_mode = #tpu.pipeline_mode<synchronous>, transform_indices = @transform_2, window_bounds = array<i64: 20, 128>}, {pipeline_mode = #tpu.pipeline_mode<synchronous>, transform_indices = @transform_3, window_bounds = array<i64: 1, 128>}, {pipeline_mode = #tpu.pipeline_mode<synchronous>, transform_indices = @transform_4, window_bounds = array<i64: 128, 128>}, {pipeline_mode = #tpu.pipeline_mode<synchronous>, transform_indices = @transform_5, window_bounds = array<i64: 128, 128>}, {transform_indices = @transform_6, window_bounds = array<i64: 2000, 128>}, {transform_indices = @transform_7, window_bounds = array<i64: 2000, 128>}, {transform_indices = @transform_8, window_bounds = array<i64: 2000, 128>}]} {
    %get3A = arith.constant 0 : index
    %get3A_0 = arith.constant 0 : index
    %get3A_1 = vector.load %arg2[%get3A, %get3A_0] : memref<2000x20xf32, #tpu.memory_space<vmem>>, vector<2000x20xf32>
    %get3A_2 = arith.constant 0 : index
    %get3A_3 = arith.constant 0 : index
    %get3A_4 = vector.load %arg1[%get3A_2, %get3A_3] : memref<2000x128xf32, #tpu.memory_space<vmem>>, vector<2000x128xf32>
    %get3A_5 = arith.constant 0 : index
    %get3A_6 = arith.constant 0 : index
    %get3A_7 = vector.load %arg3[%get3A_5, %get3A_6] : memref<20x128xf32, #tpu.memory_space<vmem>>, vector<20x128xf32>
    %dot_general3A = arith.constant dense<0.000000e+00> : vector<2000x128xf32>
    %dot_general3A_8 = tpu.matmul %get3A_1, %get3A_7, %dot_general3A {dimension_numbers = #tpu.dot_dimension_numbers<[1], [0], [0], [1], [0, 0, 1, 1], [], []>, transpose_lhs_hint = false} : vector<2000x20xf32>, vector<20x128xf32>, vector<2000x128xf32> -> vector<2000x128xf32>
    %get3A_9 = arith.constant 0 : index
    %get3A_10 = arith.constant 0 : index
    %get3A_11 = vector.load %arg4[%get3A_9, %get3A_10] : memref<1x128xf32, #tpu.memory_space<vmem>>, vector<1x128xf32>
    %add3A = vector.broadcast %get3A_11 : vector<1x128xf32> to vector<2000x128xf32>
    %add3A_12 = arith.addf %dot_general3A_8, %add3A : vector<2000x128xf32>
    %sin3A = math.sin %add3A_12 : vector<2000x128xf32>
    %add3A_13 = arith.addf %get3A_4, %sin3A : vector<2000x128xf32>
    %swap3A = arith.constant 0 : index
    %swap3A_14 = arith.constant 0 : index
    %swap3A_15 = vector.load %arg7[%swap3A, %swap3A_14] : memref<2000x128xf32, #tpu.memory_space<vmem>>, vector<2000x128xf32>
    tpu.vector_store %arg7[%swap3A, %swap3A_14], %add3A_13 {strides = array<i32>} : memref<2000x128xf32, #tpu.memory_space<vmem>>, vector<2000x128xf32>,
    %reduce_sum3A = arith.constant dense<0.000000e+00> : vector<2000xf32>
    %reduce_sum3A_16 = vector.multi_reduction <add>, %add3A_13, %reduce_sum3A [1] : vector<2000x128xf32> to vector<2000xf32>
    %broadcast_in_dim3A = vector.shape_cast %reduce_sum3A_16 : vector<2000xf32> to vector<2000x1xf32>
    %div3A = arith.constant 1.280000e+02 : f32
    %div3A_17 = vector.broadcast %div3A : f32 to vector<2000x1xf32>
    %div3A_18 = arith.divf %broadcast_in_dim3A, %div3A_17 : vector<2000x1xf32>
    %jit3A = arith.constant 0 : i32
    %reduce_sum3A_19 = arith.constant dense<0.000000e+00> : vector<2000xf32>
    %reduce_sum3A_20 = vector.multi_reduction <add>, %add3A_13, %reduce_sum3A_19 [1] : vector<2000x128xf32> to vector<2000xf32>
    %broadcast_in_dim3A_21 = vector.shape_cast %reduce_sum3A_20 : vector<2000xf32> to vector<2000x1xf32>
    %div3A_22 = arith.constant 1.280000e+02 : f32
    %div3A_23 = vector.broadcast %div3A_22 : f32 to vector<2000x1xf32>
    %div3A_24 = arith.divf %broadcast_in_dim3A_21, %div3A_23 : vector<2000x1xf32>
    %sub3A = vector.broadcast %div3A_24 : vector<2000x1xf32> to vector<2000x128xf32>
    %sub3A_25 = arith.subf %add3A_13, %sub3A : vector<2000x128xf32>
    %square3A = arith.mulf %sub3A_25, %sub3A_25 : vector<2000x128xf32>
    %convert_element_type3A = arith.sitofp %jit3A : i32 to f32
    %sub3A_26 = arith.constant 1.280000e+02 : f32
    %sub3A_27 = arith.subf %sub3A_26, %convert_element_type3A : f32
    %reduce_sum3A_28 = arith.constant dense<0.000000e+00> : vector<2000xf32>
    %reduce_sum3A_29 = vector.multi_reduction <add>, %square3A, %reduce_sum3A_28 [1] : vector<2000x128xf32> to vector<2000xf32>
    %broadcast_in_dim3A_30 = vector.shape_cast %reduce_sum3A_29 : vector<2000xf32> to vector<2000x1xf32>
    %div3A_31 = vector.broadcast %sub3A_27 : f32 to vector<2000x1xf32>
    %div3A_32 = arith.divf %broadcast_in_dim3A_30, %div3A_31 : vector<2000x1xf32>
    %gt3A = arith.constant 0.000000e+00 : f32
    %gt3A_33 = arith.cmpf ogt, %sub3A_27, %gt3A : f32
    %jit3A_34 = arith.constant 0x7FC00000 : f32
    %broadcast_in_dim3A_35 = vector.broadcast %jit3A_34 : f32 to vector<2000x1xf32>
    %select_n3A = arith.select %gt3A_33, %div3A_32, %broadcast_in_dim3A_35 : vector<2000x1xf32>
    %sub3A_36 = vector.broadcast %div3A_18 : vector<2000x1xf32> to vector<2000x128xf32>
    %sub3A_37 = arith.subf %add3A_13, %sub3A_36 : vector<2000x128xf32>
    %add3A_38 = arith.constant 9.99999974E-6 : f32
    %add3A_39 = vector.broadcast %add3A_38 : f32 to vector<2000x1xf32>
    %add3A_40 = arith.addf %select_n3A, %add3A_39 : vector<2000x1xf32>
    %rsqrt3A = math.rsqrt %add3A_40 : vector<2000x1xf32>
    %mul3A = vector.broadcast %rsqrt3A : vector<2000x1xf32> to vector<2000x128xf32>
    %mul3A_41 = arith.mulf %sub3A_37, %mul3A : vector<2000x128xf32>
    %get3A_42 = arith.constant 0 : index
    %get3A_43 = arith.constant 0 : index
    %get3A_44 = vector.load %arg5[%get3A_42, %get3A_43] : memref<128x128xf32, #tpu.memory_space<vmem>>, vector<128x128xf32>
    %dot_general3A_45 = arith.constant dense<0.000000e+00> : vector<2000x128xf32>
    %dot_general3A_46 = tpu.matmul %mul3A_41, %get3A_44, %dot_general3A_45 {dimension_numbers = #tpu.dot_dimension_numbers<[1], [0], [0], [1], [0, 0, 1, 1], [], []>, transpose_lhs_hint = false} : vector<2000x128xf32>, vector<128x128xf32>, vector<2000x128xf32> -> vector<2000x128xf32>
    %swap3A_47 = arith.constant 0 : index
    %swap3A_48 = arith.constant 0 : index
    %swap3A_49 = vector.load %arg8[%swap3A_47, %swap3A_48] : memref<2000x128xf32, #tpu.memory_space<vmem>>, vector<2000x128xf32>
    tpu.vector_store %arg8[%swap3A_47, %swap3A_48], %dot_general3A_46 {strides = array<i32>} : memref<2000x128xf32, #tpu.memory_space<vmem>>, vector<2000x128xf32>,
    %get3A_50 = arith.constant 0 : index
    %get3A_51 = arith.constant 0 : index
    %get3A_52 = vector.load %arg6[%get3A_50, %get3A_51] : memref<128x128xf32, #tpu.memory_space<vmem>>, vector<128x128xf32>
    %dot_general3A_53 = arith.constant dense<0.000000e+00> : vector<2000x128xf32>
    %dot_general3A_54 = tpu.matmul %mul3A_41, %get3A_52, %dot_general3A_53 {dimension_numbers = #tpu.dot_dimension_numbers<[1], [0], [0], [1], [0, 0, 1, 1], [], []>, transpose_lhs_hint = false} : vector<2000x128xf32>, vector<128x128xf32>, vector<2000x128xf32> -> vector<2000x128xf32>
    %swap3A_55 = arith.constant 0 : index
    %swap3A_56 = arith.constant 0 : index
    %swap3A_57 = vector.load %arg9[%swap3A_55, %swap3A_56] : memref<2000x128xf32, #tpu.memory_space<vmem>>, vector<2000x128xf32>
    tpu.vector_store %arg9[%swap3A_55, %swap3A_56], %dot_general3A_54 {strides = array<i32>} : memref<2000x128xf32, #tpu.memory_space<vmem>>, vector<2000x128xf32>,
    return
  }
  func.func @transform_0(%arg0: i32) -> (i32, i32) {
    %c0_i32 = arith.constant 0 : i32
    %c0_i32_0 = arith.constant 0 : i32
    return %arg0, %c0_i32 : i32, i32
  }
  func.func @transform_1(%arg0: i32) -> (i32, i32) {
    %c0_i32 = arith.constant 0 : i32
    %c0_i32_0 = arith.constant 0 : i32
    return %arg0, %c0_i32 : i32, i32
  }
  func.func @transform_2(%arg0: i32) -> (i32, i32) {
    %c0_i32 = arith.constant 0 : i32
    %c0_i32_0 = arith.constant 0 : i32
    %c0_i32_1 = arith.constant 0 : i32
    return %c0_i32, %c0_i32_0 : i32, i32
  }
  func.func @transform_3(%arg0: i32) -> (i32, i32) {
    %c0_i32 = arith.constant 0 : i32
    %c0_i32_0 = arith.constant 0 : i32
    %c0_i32_1 = arith.constant 0 : i32
    return %c0_i32, %c0_i32_0 : i32, i32
  }
  func.func @transform_4(%arg0: i32) -> (i32, i32) {
    %c0_i32 = arith.constant 0 : i32
    %c0_i32_0 = arith.constant 0 : i32
    %c0_i32_1 = arith.constant 0 : i32
    return %c0_i32, %c0_i32_0 : i32, i32
  }
  func.func @transform_5(%arg0: i32) -> (i32, i32) {
    %c0_i32 = arith.constant 0 : i32
    %c0_i32_0 = arith.constant 0 : i32
    %c0_i32_1 = arith.constant 0 : i32
    return %c0_i32, %c0_i32_0 : i32, i32
  }
  func.func @transform_6(%arg0: i32) -> (i32, i32) {
    %c0_i32 = arith.constant 0 : i32
    %c0_i32_0 = arith.constant 0 : i32
    return %arg0, %c0_i32 : i32, i32
  }
  func.func @transform_7(%arg0: i32) -> (i32, i32) {
    %c0_i32 = arith.constant 0 : i32
    %c0_i32_0 = arith.constant 0 : i32
    return %arg0, %c0_i32 : i32, i32
  }
  func.func @transform_8(%arg0: i32) -> (i32, i32) {
    %c0_i32 = arith.constant 0 : i32
    %c0_i32_0 = arith.constant 0 : i32
    return %arg0, %c0_i32 : i32, i32
  }
}

</mosaic_0001>

<sc_bundles>
// kernel: sparse-core-data-format-call.1.cloned.1.call-start
scs
called_computation.1_lowered:
.L_overlay_start_0:
0x0: {  	s2 =	sld [smem:$0x3FD9]  }
0x1: {  	s3 =	sld [smem:$0x3FFE];
	_ =	sdelay $0x1  }
0x2: {  	s1 =	srdreg.scid  }
0x3: {  	s0 =	sand.u32 $0x1, s1  }
0x4: {  	s18 =	sshll.u32 s0, $0xA;
	s2 =	sadd.s32 s3, s2  }
0x5: {  	s2 =	sadd.s32 s2, s18  }
0x6: {  	[smem:$0x3F9B] =	sst s2  }
0x7: {  	_ = 	snop  }
0x8: {  	(tm) =	ssettm $0x1  }
0x9: {  	s19 =	sld [smem:$0x3FFB];
	_ =	sdelay $0x3  }
0xa: {  	_ =	strace s19  }
0xb: {  	s2 =	sld [smem:$0x3FFC];
	_ =	sdelay $0x3  }
0xc: {  	_ =	strace s2  }
0xd: {  	s2 =	sld [smem:$0x3FFD];
	_ =	sdelay $0x3  }
0xe: {  	_ =	strace s2  }
0xf: {  	_ =	strace $0x8FFFFFFF  }
0x10: {  	s20 =	sld [smem:$0x3FDB];
	_ =	sdelay $0x1  }
0x11: {  	s21 =	simm.s32 $_scs_section_size  }
0x12: {  	s4 =	simm.s32 $_size__tile_overlayer_lowered;
	s5 =	simm.s32 $_tile_overlayer_lowered  }
0x13: {  	s6 =	simm.s32 $0x1BFF;
	s22 =	sshll.u32 s5, $0x1;
	s3 =	sadd.s32 s21, s20  }
0x14: {  	s23 =	simm.s32 $0x0;
	s4 =	sshll.u32 s4, $0x1;
	s5 =	sadd.s32 s22, s3  }
0x15: {  	[timem:s23], [sflag:s6] =	dma.local [hbm:s5], s4  }
0x16: {  	_ =	swait.ge [sflag:s6], s4  }
0x17: {  	s4 =	ssub.s32 $0x0, s4;
	[sflag:s6] =	ssyncset.done $0x0  }
0x18: {  	[sflag:s6] =	ssyncadd.s32 s4;
	_ =	sdelay $0x1  }
0x19: {  	s24 =	simm.s32 $0x1B8B  }
0x1a: {  	_ =	swait.ge [sflag:s24], $0x1  }
0x1b: {  	[sflag:s24] =	ssyncset.done $0x0  }
0x1c: {  	[sflag:s24] =	ssyncadd.s32 $0xFFFFFFFF  }
0x1d: {  	s4 =	sld [smem:$0x0]  }
0x1e: {  	s5 =	sand.u32 $0xFFFFFFFE, s1  }
0x1f: {  	p0 =	sne.s32 s1, s5  }
0x20: {  	s5 =	sshll.u32 @p0 s5, $0xE  }
0x21: {  	s5 =	sadd.s32 @p0 $0x11B8D, s5;
	s6 =	sshll.u32 @p0 s4, $0x11  }
0x22: {  	s5 =	sor.u32 @p0 s6, s5  }
0x23: {  	[sflag:s5] =	ssyncadd.remote.s32 @p0 $0x1;
	_ =	sdelay $0x1  }
0x24: {  	s5 =	simm.s32 @p0 $0x1B8D  }
0x25: {  	_ =	swait.eq @p0 [sflag:s5], $0x1  }
0x26: {  	[sflag:s5] =	ssyncadd.s32 @p0 $0xFFFFFFFF  }
0x27: {  	s6 =	sshll.u32 @!p0 s1, $0xE  }
0x28: {  	s6 =	sor.u32 @!p0 $0x4000, s6;
	s5 =	simm.s32 @!p0 $0x1B8D  }
0x29: {  	s4 =	sshll.u32 @!p0 s4, $0x11;
	s6 =	sadd.s32 @!p0 $0x11B8D, s6;
	_ =	swait.eq @!p0 [sflag:s5], $0x1  }
0x2a: {  	s4 =	sor.u32 @!p0 s4, s6;
	[sflag:s5] =	ssyncadd.s32 @!p0 $0xFFFFFFFF  }
0x2b: {  	s26 =	simm.s32 $0x1B8E;
	s25 =	sld [smem:$0x3FFE];
	[sflag:s4] =	ssyncadd.remote.s32 @!p0 $0x1  }
0x2c: {  	s27 =	simm.s32 $execute0_lowered;
	[smem:$0x3FD2] =	sst s26  }
0x2d: {  	s5 =	sshll.u32 s27, $0x1;
	_ =	strace $0x8000004F;
	[dreg:$0x1] =	wrdreg $0xFFFFFFFF  }
0x2e: {  	s28 =	simm.s32 $_size_execute0_lowered;
	s3 =	sadd.s32 s3, s5;
	[dreg:$0x0] =	wrdreg $0x0  }
0x2f: {  	s5 =	sshll.u32 s28, $0x1;
	[dreg:$0x2] =	wrdreg s3  }
0x30: {  	[dreg:$0x3] =	wrdreg s5  }
0x31: {  	[dreg:$0x4] =	wrdreg $0xC0  }
0x32: {  	_ =	task [dreg:s23], $0x5FFFF  }
0x33: {  	[dreg:$0x1] =	wrdreg $0xFFFFFFFF  }
0x34: {  	[dreg:$0x0] =	wrdreg $0x60  }
0x35: {  	[dreg:$0x2] =	wrdreg s25  }
0x36: {  	[dreg:$0x3] =	wrdreg $0xA  }
0x37: {  	_ =	task.clear_ibuf [dreg:s23], $0x4FFFF;
	_ =	strace $0x9000004F  }
0x38: {  	s29 =	simm.s32 $0xA;
	_ =	strace $0x80000051  }
0x39: {  	_ =	swait.ge [sflag:s29], $0x1  }
0x3a: {  	[sflag:s29] =	ssyncadd.s32 $0xFFFFFFFF  }
0x3b: {  	_ =	strace $0x90000051  }
0x3c: {  	_ =	sfence  }
0x3d: {  	s30 =	sld [smem:$0x0];
	_ =	sdelay $0x2  }
0x3e: {  	s31 =	sshll.u32 s1, $0xD;
	s1 =	sshrl.u32 s1, $0x2  }
0x3f: {  	s4 =	sand.u32 $0x4000, s31;
	s1 =	sadd.s32 s1, s30  }
0x40: {  	s0 =	sor.u32 s4, s0;
	s1 =	sshll.u32 s1, $0x11  }
0x41: {  	s0 =	sor.u32 s1, s0  }
0x42: {  	s0 =	sadd.s32 $0x8F2B, s0  }
0x43: {  	[sflag:s0] =	ssyncadd.remote.s32 $0x1  }
0x44: {  	_ =	sfence.sel $0xFFFF  }
0x45: {  	[dreg:$0x0] =	wrdreg $0xFFFFFFFF;
	(pc) =	sbr.abs _section_cstart, $3  }
0x46: {  	[dreg:$0x1] =	wrdreg $0xFFFFFFFF  }
0x47: {  	_ =	task.clear_ibuf [dreg:s23], $0x2FFFF;
	_ =	strace $0x9FFFFFFF  }
0x48: {  	(tm) =	ssettm $0x7FFFFFFF  }
0x49: {  	_ =	shalt  }
tec
execute0_lowered:
.L_overlay_start_1:
0x0: {  	(tag) =	ssettag $0x1  }
0x1: {  	s0 =	srdreg.scid;
	s3 =	rddreg [dreg:$0x0]  }
0x2: {  	s5 =	simm.s32 $0x1;
	s6 =	simm.s32 $0x2;
	s1 =	sshll.u32 s0, $0x4  }
0x3: {  	s12 =	simm.s32 $0x0;
	s0 =	stileid.u32;
	s1 =	sand.u32 $0x10, s1  }
0x4: {  	p0 =	por $0x0, $0x0;
	s9 =	simm.s32 $0x61C00;
	s1 =	sor.u32 s0, s1  }
0x5: {  	s13 =	simm.s32 $0x0;
	s31 =	sshll.u32 s0, $0x7;
	s2 =	sshrl.u32 s1, $0x2  }
.Ltmp0:
0x6: {  	s1 =	rddreg [dreg:$0x1];
	s4 =	sshll.u32 s2, $0x4;
	(pc) =	sbr.rel .LBB1_1-.Ltmp0, $4  }
0x7: {  	_ =	strace $0x80000050;
	s7 =	sadd.s32 s4, s3;
	s4 =	sand.u32 $0x180, s31  }
0x8: {  	s11 =	simm.s32 $0x0;
	[sflag:s5] =	ssyncpa.u1 $0x0;
	s8 =	ssub.s32 $0xC300, s4  }
0x9: {  	s3 =	sadd.s32 $0x12E7800, s3;
	[sflag:s6] =	ssyncpa.u1 $0x0;
	s6 =	sshrl.u32 s8, $0x9  }
0xa: {  	s7 =	sadd.s32 $0xCCD000, s7;
	s10 =	smov.u32 s4;
	s8 =	sor.u32 $0x2, s6  }
.LBB1_5:
0xb: {  	s14 =	sadd.s32 $0x200, s10  }
0xc: {  	p2 =	sgt.s32 s14, $0xC34F  }
0xd: {  	s14 =	smov.u32 @p2 s4;
	p2 =	sne.s32 s11, s8  }
.Ltmp1:
0xe: {  	p1 =	slt.u32 s11, $0x2;
	(pc) =	sbr.rel @!p2 .LBB1_6-.Ltmp1, $4  }
0xf: {  	s12 =	simm.s32 @!p1 $0x2  }
0x10: {  	s15 =	sadd.s32 $0x1, s11;
	s13 =	smov.u32 s10;
	_ =	swait.ge @!p1 [sflag:s12], $0x4000  }
0x11: {  	p0 =	por !p0, !p0;
	s11 =	smov.u32 s15;
	[sflag:s12] =	ssyncset.done @!p1 $0x0  }
0x12: {  	s10 =	smov.u32 s14;
	[sflag:s12] =	ssyncadd.s32 @!p1 $0xFFFFC000;
	s12 =	smov.u32 s2  }
.LBB1_1:
0x13: {  	p1 =	sgt.u32 s11, s6  }
0x14: {  	p2 =	sgt.s32 @!p1 s10, $0xC2D0  }
0x15: {  	s14 =	smov.u32 s10;
	s15 =	sshra.s32 @!p1 s10, $0x1F;
	p2 =	por !p2, p1  }
0x16: {  	s15 =	sand.u32 @!p1 s15, s10;
	s14 =	simm.s32 @p2 $0xC2D0  }
0x17: {  	s14 =	ssub.s32 @!p1 s14, s15  }
0x18: {  	s16 =	sxor.u32 @!p1 $0xFFFFFFFF, s11;
	s14 =	sadd.s32 @!p1 $0xFFFF3D30, s14  }
0x19: {  	s17 =	simm.s32 @!p1 $0x80;
	s18 =	simm.s32 @!p1 $0x400;
	s15 =	sshll.u32 @!p1 s14, $0x7  }
0x1a: {  	p2 =	sgt.s32 @!p1 s14, $0x7F;
	s14 =	ssub.s32 @!p1 $0x4000, s15;
	s15 =	sshll.u32 @!p1 s16, $0xE  }
0x1b: {  	p2 =	por !p2, p1;
	s16 =	sshll.u32 @!p1 s10, $0x7;
	s14 =	sand.u32 @!p1 $0x3FFFFF80, s14  }
0x1c: {  	s15 =	sand.u32 @!p1 $0x4000, s15;
	s16 =	sadd.s32 @!p1 s16, s7;
	s14 =	simm.s32 @!p2 $0x0  }
0x1d: {  	[tilespmem:s15], [sflag:$0x1] =	stream.strided.gather @!p1 [hbm4b:s16+s17], s14, s18, s17, $0x38;
	[tilespmem:$0x10100] =	vst v63  }
0x1e: {  	p1 =	seq.s32 s11, $0x0  }
0x1f: {  	p2 =	sge.u32 @!p1 s11, s8  }
0x20: {  	p1 =	por p1, p2  }
.Ltmp2:
0x21: {  	_ = 	snop;
	(pc) =	sbr.rel @p1 .LBB1_5-.Ltmp2, $1  }
0x22: {  	_ =	sdelay $0x3  }
0x23: {  	p1 =	sgt.s32 s13, $0xC2D0;
	s14 =	smov.u32 s13;
	s15 =	sshra.s32 s13, $0x1F  }
0x24: {  	s14 =	simm.s32 @!p1 $0xC2D0;
	s15 =	sand.u32 s15, s13  }
0x25: {  	s14 =	ssub.s32 s14, s15  }
0x26: {  	s14 =	sadd.s32 $0xFFFF3D30, s14  }
0x27: {  	s29 =	sshll.u32 s14, $0x7  }
0x28: {  	s15 =	ssub.s32 $0x4000, s29  }
0x29: {  	p1 =	sgt.s32 s14, $0x7F;
	s14 =	sand.u32 $0x3FFFFF80, s15  }
0x2a: {  	s15 =	simm.s32 $0x1;
	s14 =	simm.s32 @p1 $0x0  }
0x2b: {  	s15 =	simm.s32 @!p0 $0x0;
	_ =	swait.ge [sflag:s5], s14  }
0x2c: {  	s16 =	sshll.u32 s15, $0xE;
	s14 =	ssub.s32 $0x0, s14;
	[sflag:s5] =	ssyncset.done $0x0  }
0x2d: {  	s17 =	sor.u32 $0x40, s16;
	[sflag:s5] =	ssyncadd.s32 s14  }
0x2e: {  	s30 =	smul.u32 $0x10200, s15;
	v0 =	vld [tilespmem:s17+$0x30]  }
0x2f: {  	v1 =	vld [tilespmem:s17+$0xFFFFFFD0]  }
0x30: {  	s14 =	sshrl.u32 s30, $0x2;
	v5 =	vld [tilespmem:s17+$0xFFFFFFE0]  }
0x31: {  	s15 =	sor.u32 $0x8000, s14;
	v6 =	vld [tilespmem:s17+$0xFFFFFFF0]  }
0x32: {  	s31 =	sand.u32 $0x1, s11;
	v3 =	vld [tilespmem:s17+$0x0];
	s16 =	sadd.s32 $0x0, s15  }
0x33: {  	s14 =	smul.u32 $0x10200, s31;
	v4 =	vld [tilespmem:s17+$0x10];
	[tilespmem:s16+$0x3870 ss:$0x81] =	vst.msk $0xffff, v0  }
0x34: {  	v2 =	vld [tilespmem:s17+$0x20];
	[tilespmem:s16+$0x810 ss:$0x81] =	vst.msk $0xffff, v1  }
0x35: {  	s14 =	sshrl.u32 s14, $0x2;
	v0 =	vld [tilespmem:s17+$0xFFFFFFC0];
	[tilespmem:s16+$0x1020 ss:$0x81] =	vst.msk $0xffff, v5;
	s17 =	sadd.s32 $0x80, s17  }
0x36: {  	s18 =	simm.s32 $0x4;
	s19 =	simm.s32 $0x8;
	s14 =	sor.u32 $0x8000, s14;
	[tilespmem:s16+$0x1830 ss:$0x81] =	vst.msk $0xffff, v6;
	v1 =	vld [tilespmem:s17+$0x30]  }
.LBB1_3:
0x37: {  	p1 =	sne.s32 s19, $0x1FC;
	v5 =	vld [tilespmem:s17+$0xFFFFFFD0];
	[tilespmem:s16+$0x2040 ss:$0x81] =	vst.msk $0xffff, v3  }
0x38: {  	v6 =	vld [tilespmem:s17+$0xFFFFFFE0];
	[tilespmem:s16+$0x2850 ss:$0x81] =	vst.msk $0xffff, v4  }
0x39: {  	s20 =	sshra.s32 s18, $0x2;
	s18 =	smov.u32 s19;
	v7 =	vld [tilespmem:s17+$0xFFFFFFF0];
	[tilespmem:s16+$0x3060 ss:$0x81] =	vst.msk $0xffff, v2  }
.Ltmp3:
0x3a: {  	v3 =	vld [tilespmem:s17+$0x0];
	[tilespmem:s16+$0x0 ss:$0x81] =	vst.msk $0xffff, v0;
	s16 =	sadd.s32 s20, s15;
	(pc) =	sbr.rel @p1 .LBB1_3-.Ltmp3, $4  }
0x3b: {  	v4 =	vld [tilespmem:s17+$0x10];
	[tilespmem:s16+$0x3870 ss:$0x81] =	vst.msk $0xffff, v1  }
0x3c: {  	[tilespmem:s16+$0x810 ss:$0x81] =	vst.msk $0xffff, v5;
	v2 =	vld [tilespmem:s17+$0x20]  }
0x3d: {  	v0 =	vld [tilespmem:s17+$0xFFFFFFC0];
	[tilespmem:s16+$0x1020 ss:$0x81] =	vst.msk $0xffff, v6;
	s17 =	sadd.s32 $0x80, s17  }
0x3e: {  	s19 =	sadd.s32 $0x4, s19;
	v1 =	vld [tilespmem:s17+$0x30];
	[tilespmem:s16+$0x1830 ss:$0x81] =	vst.msk $0xffff, v7  }
0x3f: {  	v5 =	vld [tilespmem:s17+$0xFFFFFFD0];
	[tilespmem:s16+$0x2040 ss:$0x81] =	vst.msk $0xffff, v3;
	s19 =	sshll.u32 s13, $0x3  }
0x40: {  	v58 =	vld [tilespmem:s17+$0xFFFFFFE0];
	s24 =	sand.u32 $0x7F, s13;
	[tilespmem:s16+$0x2850 ss:$0x81] =	vst.msk $0xffff, v4;
	s19 =	sand.u32 $0xFFFFFC00, s19  }
0x41: {  	s18 =	sshra.s32 s18, $0x2;
	v59 =	vld [tilespmem:s17+$0xFFFFFFF0];
	[tilespmem:s16+$0x3060 ss:$0x81] =	vst.msk $0xffff, v2;
	s13 =	sor.u32 s24, s19;
	s26 =	smulhi.u32 $0xA79C7B17, s19  }
0x42: {  	v60 =	vld [tilespmem:s17+$0x0];
	s15 =	sadd.s32 s18, s15;
	[tilespmem:s16+$0x0 ss:$0x81] =	vst.msk $0xffff, v0;
	s25 =	smulhi.u32 $0xA79C7B17, s13  }
0x43: {  	v61 =	vld [tilespmem:s17+$0x10];
	[tilespmem:s15+$0x3870 ss:$0x81] =	vst.msk $0xffff, v1  }
0x44: {  	v62 =	vld [tilespmem:s17+$0x20];
	s12 =	smul.u32 $0xC3800, s12;
	s27 =	sshrl.u32 s26, $0xF;
	[tilespmem:s15+$0x810 ss:$0x81] =	vst.msk $0xffff, v5;
	s16 =	sshrl.u32 s25, $0xF  }
0x45: {  	v63 =	vld [tilespmem:s17+$0xFFFFFFC0];
	[tilespmem:s15+$0x1020 ss:$0x81] =	vst.msk $0xffff, v58;
	s17 =	sand.u32 $0x7F, s27;
	s16 =	smul.u32 $0xC380, s16  }
0x46: {  	[tilespmem:s15+$0x1830 ss:$0x81] =	vst.msk $0xffff, v59;
	s28 =	smul.u32 $0x1870, s17  }
.Ltmp4:
0x47: {  	[tilespmem:s15+$0x2040 ss:$0x81] =	vst.msk $0xffff, v60;
	s13 =	ssub.s32 s13, s16;
	(pc) =	sbr.rel .LBB1_5-.Ltmp4, $4  }
0x48: {  	s12 =	sadd.s32 s3, s12;
	[tilespmem:s15+$0x2850 ss:$0x81] =	vst.msk $0xffff, v61;
	s29 =	sand.u32 $0x7, s13  }
0x49: {  	[tilespmem:s15+$0x3060 ss:$0x81] =	vst.msk $0xffff, v62;
	s12 =	sadd.s32 s28, s12;
	s13 =	sshrl.u32 s13, $0x3;
	s30 =	sshll.u32 s29, $0x12  }
0x4a: {  	[tilespmem:s15+$0x0 ss:$0x81] =	vst.msk $0xffff, v63;
	s12 =	sadd.s32 s13, s12;
	s31 =	sor.u32 $0x400, s30  }
0x4b: {  	[hbm4b:s12+s31] =	stream.strided.scatter [tilespmem:s14], [sflag:$0x2], $0x4000, s9, s31, $0x20;
	[tilespmem:$0x10100] =	vst v63  }
.LBB1_6:
0x4c: {  	_ =	sfence.sel $0x180000  }
0x4d: {  	s2 =	simm.s32 $0x1;
	[bflag:$0x0] =	sbarrier.arrive $0xFFFF  }
0x4e: {  	s31 =	simm.s32 $0x2;
	[sflag:s2] =	ssyncpa.u1 $0x1  }
0x4f: {  	[sflag:s31] =	ssyncpa.u1 $0x1  }
0x50: {  	p0 =	sne.s32 s0, $0x0;
	_ =	strace $0x90000050  }
0x51: {  	s0 =	sadd.s32 @!p0 $0x100000, s1;
	[bflag:$0x2] =	sbarrier.arrive $0xFFFF  }
0x52: {  	[sflag:s0] =	ssyncadd.tile.s32 @!p0 $0x1;
	_ =	shalt  }
.Lfunc_end1:
_tile_overlayer_lowered:
.L_overlay_start_2:
0x53: {  	(tag) =	ssettag $0x2  }
0x54: {  	s0 =	rddreg [dreg:$0x0];
	s2 =	stileid.u32  }
0x55: {  	s1 =	rddreg [dreg:$0x1];
	p0 =	sne.s32 s2, $0x0  }
0x56: {  	s3 =	rddreg [dreg:$0x2];
	[bflag:$0x3] =	sbarrier.arrive $0xFFFF;
	s2 =	simm.s32 @!p0 $0x1C01  }
0x57: {  	[timem:s3], [sflag:s2] =	dma.local @!p0 [hbm:s0], s1  }
0x58: {  	s0 =	simm.s32 @!p0 $0x1  }
0x59: {  	_ =	swait.ge @!p0 [sflag:s0], s1  }
0x5a: {  	s1 =	ssub.s32 @!p0 $0x0, s1;
	[sflag:s0] =	ssyncset.done @!p0 $0x0  }
0x5b: {  	[sflag:s0] =	ssyncadd.s32 @!p0 s1  }
0x5c: {  	[bflag:$0x3] =	sbarrier.arrive $0xFFFF  }
0x5d: {  	_ =	shalt  }

// kernel: sparse-core-data-format-call.2.cloned.1.call-start
scs
called_computation.2_lowered:
.L_overlay_start_0:
0x0: {  	s1 =	sld [smem:$0x3FD9]  }
0x1: {  	s2 =	sld [smem:$0x3FFE];
	_ =	sdelay $0x1  }
0x2: {  	s3 =	srdreg.scid  }
0x3: {  	s0 =	sand.u32 $0x1, s3  }
0x4: {  	s17 =	sshll.u32 s0, $0xA;
	s1 =	sadd.s32 s2, s1  }
0x5: {  	s1 =	sadd.s32 s1, s17  }
0x6: {  	[smem:$0x3F9B] =	sst s1  }
0x7: {  	_ = 	snop  }
0x8: {  	(tm) =	ssettm $0x1  }
0x9: {  	s18 =	sld [smem:$0x3FFB];
	_ =	sdelay $0x3  }
0xa: {  	_ =	strace s18  }
0xb: {  	s1 =	sld [smem:$0x3FFC];
	_ =	sdelay $0x3  }
0xc: {  	_ =	strace s1  }
0xd: {  	s1 =	sld [smem:$0x3FFD];
	_ =	sdelay $0x3  }
0xe: {  	_ =	strace s1  }
0xf: {  	_ =	strace $0x8FFFFFFF  }
0x10: {  	s19 =	sld [smem:$0x3FDB];
	_ =	sdelay $0x1  }
0x11: {  	s20 =	simm.s32 $_scs_section_size  }
0x12: {  	s4 =	simm.s32 $_size__tile_overlayer_lowered;
	s5 =	simm.s32 $_tile_overlayer_lowered  }
0x13: {  	s23 =	simm.s32 $0x1BFF;
	s22 =	sshll.u32 s5, $0x1;
	s1 =	sadd.s32 s20, s19  }
0x14: {  	s6 =	simm.s32 $0x0;
	s21 =	sshll.u32 s4, $0x1;
	s4 =	sadd.s32 s22, s1  }
0x15: {  	[timem:s6], [sflag:s23] =	dma.local [hbm:s4], s21  }
0x16: {  	_ =	swait.ge [sflag:s23], s21  }
0x17: {  	s2 =	ssub.s32 $0x0, s21;
	[sflag:s23] =	ssyncset.done $0x0  }
0x18: {  	[sflag:s23] =	ssyncadd.s32 s2;
	_ =	sdelay $0x1  }
0x19: {  	s24 =	simm.s32 $0x1B8B  }
0x1a: {  	_ =	swait.ge [sflag:s24], $0x1  }
0x1b: {  	[sflag:s24] =	ssyncset.done $0x0  }
0x1c: {  	s26 =	simm.s32 $0x1B8E;
	s25 =	sld [smem:$0x3FFE];
	[sflag:s24] =	ssyncadd.s32 $0xFFFFFFFF  }
0x1d: {  	s27 =	simm.s32 $execute0_lowered;
	[smem:$0x3FD2] =	sst s26  }
0x1e: {  	s4 =	sshll.u32 s27, $0x1;
	_ =	strace $0x80000046;
	[dreg:$0x1] =	wrdreg $0xFFFFFFFF  }
0x1f: {  	s28 =	simm.s32 $_size_execute0_lowered;
	s1 =	sadd.s32 s1, s4;
	[dreg:$0x0] =	wrdreg $0x0  }
0x20: {  	s4 =	sshll.u32 s28, $0x1;
	[dreg:$0x2] =	wrdreg s1  }
0x21: {  	[dreg:$0x3] =	wrdreg s4  }
0x22: {  	[dreg:$0x4] =	wrdreg $0xC0  }
0x23: {  	_ =	task [dreg:s6], $0x5FFFF  }
0x24: {  	[dreg:$0x1] =	wrdreg $0xFFFFFFFF  }
0x25: {  	[dreg:$0x0] =	wrdreg $0x60  }
0x26: {  	[dreg:$0x2] =	wrdreg s25  }
0x27: {  	[dreg:$0x3] =	wrdreg $0x9  }
0x28: {  	_ =	task.clear_ibuf [dreg:s6], $0x4FFFF;
	_ =	strace $0x90000046  }
0x29: {  	s29 =	simm.s32 $0x9;
	_ =	strace $0x80000048  }
0x2a: {  	_ =	swait.ge [sflag:s29], $0x1  }
0x2b: {  	[sflag:s29] =	ssyncadd.s32 $0xFFFFFFFF  }
0x2c: {  	_ =	strace $0x90000048  }
0x2d: {  	_ =	sfence  }
0x2e: {  	s30 =	sld [smem:$0x0];
	_ =	sdelay $0x2  }
0x2f: {  	s31 =	sshll.u32 s3, $0xD;
	s3 =	sshrl.u32 s3, $0x2  }
0x30: {  	s2 =	sand.u32 $0x4000, s31;
	s1 =	sadd.s32 s3, s30  }
0x31: {  	s0 =	sor.u32 s2, s0;
	s1 =	sshll.u32 s1, $0x11  }
0x32: {  	s0 =	sor.u32 s1, s0  }
0x33: {  	s0 =	sadd.s32 $0x8F2B, s0  }
0x34: {  	[sflag:s0] =	ssyncadd.remote.s32 $0x1  }
0x35: {  	_ =	sfence.sel $0xFFFF  }
0x36: {  	[dreg:$0x0] =	wrdreg $0xFFFFFFFF;
	(pc) =	sbr.abs _section_cstart, $3  }
0x37: {  	[dreg:$0x1] =	wrdreg $0xFFFFFFFF  }
0x38: {  	_ =	task.clear_ibuf [dreg:s6], $0x2FFFF;
	_ =	strace $0x9FFFFFFF  }
0x39: {  	(tm) =	ssettm $0x7FFFFFFF  }
tec
execute0_lowered:
.L_overlay_start_1:
0x0: {  	(tag) =	ssettag $0x1  }
0x1: {  	s0 =	srdreg.scid;
	s4 =	rddreg [dreg:$0x0]  }
0x2: {  	s1 =	stileid.u32;
	s3 =	simm.s32 $0x1;
	s6 =	simm.s32 $0x2  }
0x3: {  	s9 =	simm.s32 $0x0;
	p0 =	por $0x0, $0x0;
	s0 =	sshll.u32 s0, $0x4  }
.Ltmp0:
0x4: {  	s10 =	simm.s32 $0x0;
	s2 =	sand.u32 $0x10, s0;
	(pc) =	sbr.rel .LBB1_1-.Ltmp0, $4  }
0x5: {  	s0 =	rddreg [dreg:$0x1];
	_ =	strace $0x80000047;
	s2 =	sor.u32 s1, s2  }
0x6: {  	s8 =	simm.s32 $0x0;
	[sflag:s3] =	ssyncpa.u1 $0x0;
	s5 =	sshll.u32 s2, $0x4  }
0x7: {  	s7 =	simm.s32 $0x0;
	[sflag:s6] =	ssyncpa.u1 $0x0;
	s5 =	sadd.s32 s5, s4  }
0x8: {  	s6 =	simm.s32 $0x14400;
	s4 =	sadd.s32 $0x756400, s4;
	s5 =	sadd.s32 $0x256000, s5  }
.LBB1_5:
0x9: {  	s11 =	sadd.s32 $0x80, s8  }
0xa: {  	p1 =	slt.u32 s7, $0x2;
	s7 =	sadd.s32 $0x1, s7;
	p2 =	sgt.s32 s11, $0x2801  }
0xb: {  	s11 =	simm.s32 @p2 $0x0;
	p2 =	sne.s32 s7, $0x53  }
.Ltmp1:
0xc: {  	_ = 	snop;
	(pc) =	sbr.rel @!p2 .LBB1_6-.Ltmp1, $4  }
0xd: {  	s9 =	simm.s32 @!p1 $0x2  }
0xe: {  	_ =	swait.ge @!p1 [sflag:s9], $0x4000  }
0xf: {  	s10 =	smov.u32 s8;
	p0 =	por !p0, !p0;
	[sflag:s9] =	ssyncset.done @!p1 $0x0  }
0x10: {  	s8 =	smov.u32 s11;
	[sflag:s9] =	ssyncadd.s32 @!p1 $0xFFFFC000;
	s9 =	smov.u32 s2  }
.LBB1_1:
0x11: {  	p1 =	sgt.u32 s7, $0x50  }
0x12: {  	p2 =	sgt.s32 @!p1 s8, $0x2782  }
0x13: {  	s11 =	smov.u32 s8;
	s12 =	sshra.s32 @!p1 s8, $0x1F;
	p2 =	por !p2, p1  }
0x14: {  	s12 =	sand.u32 @!p1 s12, s8;
	s11 =	simm.s32 @p2 $0x2782  }
0x15: {  	s11 =	ssub.s32 @!p1 s11, s12  }
0x16: {  	s13 =	sxor.u32 @!p1 $0xFFFFFFFF, s7;
	s11 =	sadd.s32 @!p1 $0xFFFFD87E, s11  }
0x17: {  	s14 =	simm.s32 @!p1 $0x80;
	s15 =	simm.s32 @!p1 $0x1000;
	s12 =	sshll.u32 @!p1 s11, $0x7  }
0x18: {  	p2 =	sgt.s32 @!p1 s11, $0x7F;
	s11 =	ssub.s32 @!p1 $0x4000, s12;
	s12 =	sshll.u32 @!p1 s13, $0xE  }
0x19: {  	p2 =	por !p2, p1;
	s13 =	sshll.u32 @!p1 s8, $0x9;
	s11 =	sand.u32 @!p1 $0x3FFFFF80, s11  }
0x1a: {  	s12 =	sand.u32 @!p1 $0x4000, s12;
	s13 =	sadd.s32 @!p1 s13, s5;
	s11 =	simm.s32 @!p2 $0x0  }
0x1b: {  	[tilespmem:s12], [sflag:$0x1] =	stream.strided.gather @!p1 [hbm4b:s13+s14], s11, s15, s14, $0x38;
	[tilespmem:$0x10100] =	vst v63  }
0x1c: {  	p1 =	seq.s32 s7, $0x0  }
0x1d: {  	p2 =	seq.s32 @!p1 s7, $0x52  }
0x1e: {  	p1 =	por p1, p2  }
.Ltmp2:
0x1f: {  	_ = 	snop;
	(pc) =	sbr.rel @p1 .LBB1_5-.Ltmp2, $1  }
0x20: {  	_ =	sdelay $0x3  }
0x21: {  	p1 =	sgt.s32 s10, $0x2782;
	s11 =	smov.u32 s10;
	s12 =	sshra.s32 s10, $0x1F  }
0x22: {  	s11 =	simm.s32 @!p1 $0x2782;
	s12 =	sand.u32 s12, s10  }
0x23: {  	s11 =	ssub.s32 s11, s12  }
0x24: {  	s11 =	sadd.s32 $0xFFFFD87E, s11  }
0x25: {  	s29 =	sshll.u32 s11, $0x7  }
0x26: {  	s12 =	ssub.s32 $0x4000, s29  }
0x27: {  	p1 =	sgt.s32 s11, $0x7F;
	s11 =	sand.u32 $0x3FFFFF80, s12  }
0x28: {  	s12 =	simm.s32 $0x1;
	s11 =	simm.s32 @p1 $0x0  }
0x29: {  	s12 =	simm.s32 @!p0 $0x0;
	_ =	swait.ge [sflag:s3], s11  }
0x2a: {  	s13 =	sshll.u32 s12, $0xE;
	s11 =	ssub.s32 $0x0, s11;
	[sflag:s3] =	ssyncset.done $0x0  }
0x2b: {  	s14 =	sor.u32 $0x40, s13;
	[sflag:s3] =	ssyncadd.s32 s11  }
0x2c: {  	s30 =	smul.u32 $0x10200, s12;
	v0 =	vld [tilespmem:s14+$0x30]  }
0x2d: {  	v1 =	vld [tilespmem:s14+$0xFFFFFFD0]  }
0x2e: {  	s11 =	sshrl.u32 s30, $0x2;
	v5 =	vld [tilespmem:s14+$0xFFFFFFE0]  }
0x2f: {  	s12 =	sor.u32 $0x8000, s11;
	v6 =	vld [tilespmem:s14+$0xFFFFFFF0]  }
0x30: {  	s31 =	sand.u32 $0x1, s7;
	v3 =	vld [tilespmem:s14+$0x0];
	s13 =	sadd.s32 $0x0, s12  }
0x31: {  	s11 =	smul.u32 $0x10200, s31;
	v4 =	vld [tilespmem:s14+$0x10];
	[tilespmem:s13+$0x3870 ss:$0x81] =	vst.msk $0xffff, v0  }
0x32: {  	v2 =	vld [tilespmem:s14+$0x20];
	[tilespmem:s13+$0x810 ss:$0x81] =	vst.msk $0xffff, v1  }
0x33: {  	s11 =	sshrl.u32 s11, $0x2;
	v0 =	vld [tilespmem:s14+$0xFFFFFFC0];
	[tilespmem:s13+$0x1020 ss:$0x81] =	vst.msk $0xffff, v5;
	s14 =	sadd.s32 $0x80, s14  }
0x34: {  	s15 =	simm.s32 $0x4;
	s16 =	simm.s32 $0x8;
	s11 =	sor.u32 $0x8000, s11;
	[tilespmem:s13+$0x1830 ss:$0x81] =	vst.msk $0xffff, v6;
	v1 =	vld [tilespmem:s14+$0x30]  }
.LBB1_3:
0x35: {  	p1 =	sne.s32 s16, $0x1FC;
	v5 =	vld [tilespmem:s14+$0xFFFFFFD0];
	[tilespmem:s13+$0x2040 ss:$0x81] =	vst.msk $0xffff, v3  }
0x36: {  	v6 =	vld [tilespmem:s14+$0xFFFFFFE0];
	[tilespmem:s13+$0x2850 ss:$0x81] =	vst.msk $0xffff, v4  }
0x37: {  	s17 =	sshra.s32 s15, $0x2;
	s15 =	smov.u32 s16;
	v7 =	vld [tilespmem:s14+$0xFFFFFFF0];
	[tilespmem:s13+$0x3060 ss:$0x81] =	vst.msk $0xffff, v2  }
.Ltmp3:
0x38: {  	v3 =	vld [tilespmem:s14+$0x0];
	[tilespmem:s13+$0x0 ss:$0x81] =	vst.msk $0xffff, v0;
	s13 =	sadd.s32 s17, s12;
	(pc) =	sbr.rel @p1 .LBB1_3-.Ltmp3, $4  }
0x39: {  	v4 =	vld [tilespmem:s14+$0x10];
	[tilespmem:s13+$0x3870 ss:$0x81] =	vst.msk $0xffff, v1  }
0x3a: {  	[tilespmem:s13+$0x810 ss:$0x81] =	vst.msk $0xffff, v5;
	v2 =	vld [tilespmem:s14+$0x20]  }
0x3b: {  	v0 =	vld [tilespmem:s14+$0xFFFFFFC0];
	[tilespmem:s13+$0x1020 ss:$0x81] =	vst.msk $0xffff, v6;
	s14 =	sadd.s32 $0x80, s14  }
0x3c: {  	s16 =	sadd.s32 $0x4, s16;
	v1 =	vld [tilespmem:s14+$0x30];
	[tilespmem:s13+$0x1830 ss:$0x81] =	vst.msk $0xffff, v7  }
0x3d: {  	v5 =	vld [tilespmem:s14+$0xFFFFFFD0];
	[tilespmem:s13+$0x2040 ss:$0x81] =	vst.msk $0xffff, v3;
	s16 =	sshll.u32 s10, $0x3  }
0x3e: {  	v58 =	vld [tilespmem:s14+$0xFFFFFFE0];
	s24 =	sand.u32 $0x7F, s10;
	[tilespmem:s13+$0x2850 ss:$0x81] =	vst.msk $0xffff, v4;
	s16 =	sand.u32 $0xFFFFFC00, s16  }
0x3f: {  	s15 =	sshra.s32 s15, $0x2;
	v59 =	vld [tilespmem:s14+$0xFFFFFFF0];
	[tilespmem:s13+$0x3060 ss:$0x81] =	vst.msk $0xffff, v2;
	s10 =	sor.u32 s24, s16;
	s26 =	smulhi.u32 $0xCA4587E7, s16  }
0x40: {  	v60 =	vld [tilespmem:s14+$0x0];
	s12 =	sadd.s32 s15, s12;
	[tilespmem:s13+$0x0 ss:$0x81] =	vst.msk $0xffff, v0;
	s25 =	smulhi.u32 $0xCA4587E7, s10  }
0x41: {  	v61 =	vld [tilespmem:s14+$0x10];
	[tilespmem:s12+$0x3870 ss:$0x81] =	vst.msk $0xffff, v1  }
0x42: {  	v62 =	vld [tilespmem:s14+$0x20];
	s9 =	smul.u32 $0x28800, s9;
	s27 =	sshrl.u32 s26, $0xD;
	[tilespmem:s12+$0x810 ss:$0x81] =	vst.msk $0xffff, v5;
	s13 =	sshrl.u32 s25, $0xD  }
0x43: {  	v63 =	vld [tilespmem:s14+$0xFFFFFFC0];
	[tilespmem:s12+$0x1020 ss:$0x81] =	vst.msk $0xffff, v58;
	s14 =	sand.u32 $0x7F, s27;
	s13 =	smul.u32 $0x2880, s13  }
0x44: {  	[tilespmem:s12+$0x1830 ss:$0x81] =	vst.msk $0xffff, v59;
	s28 =	smul.u32 $0x510, s14  }
.Ltmp4:
0x45: {  	[tilespmem:s12+$0x2040 ss:$0x81] =	vst.msk $0xffff, v60;
	s10 =	ssub.s32 s10, s13;
	(pc) =	sbr.rel .LBB1_5-.Ltmp4, $4  }
0x46: {  	s9 =	sadd.s32 s4, s9;
	[tilespmem:s12+$0x2850 ss:$0x81] =	vst.msk $0xffff, v61;
	s29 =	sand.u32 $0x7, s10  }
0x47: {  	[tilespmem:s12+$0x3060 ss:$0x81] =	vst.msk $0xffff, v62;
	s9 =	sadd.s32 s28, s9;
	s10 =	sshrl.u32 s10, $0x3;
	s30 =	sshll.u32 s29, $0x12  }
0x48: {  	[tilespmem:s12+$0x0 ss:$0x81] =	vst.msk $0xffff, v63;
	s9 =	sadd.s32 s10, s9;
	s31 =	sor.u32 $0x400, s30  }
0x49: {  	[hbm4b:s9+s31] =	stream.strided.scatter [tilespmem:s11], [sflag:$0x2], $0x4000, s6, s31, $0x20;
	[tilespmem:$0x10100] =	vst v63  }
.LBB1_6:
0x4a: {  	_ =	sfence.sel $0x180000  }
0x4b: {  	s2 =	simm.s32 $0x1;
	[bflag:$0x0] =	sbarrier.arrive $0xFFFF  }
0x4c: {  	s31 =	simm.s32 $0x2;
	[sflag:s2] =	ssyncpa.u1 $0x1  }
0x4d: {  	[sflag:s31] =	ssyncpa.u1 $0x1  }
0x4e: {  	p0 =	sne.s32 s1, $0x0;
	_ =	strace $0x90000047  }
0x4f: {  	s0 =	sadd.s32 @!p0 $0x100000, s0;
	[bflag:$0x2] =	sbarrier.arrive $0xFFFF  }
0x50: {  	[sflag:s0] =	ssyncadd.tile.s32 @!p0 $0x1;
	_ =	shalt  }
.Lfunc_end1:
_tile_overlayer_lowered:
.L_overlay_start_2:
0x51: {  	(tag) =	ssettag $0x2  }
0x52: {  	s0 =	rddreg [dreg:$0x0];
	s2 =	stileid.u32  }
0x53: {  	s1 =	rddreg [dreg:$0x1];
	p0 =	sne.s32 s2, $0x0  }
0x54: {  	s3 =	rddreg [dreg:$0x2];
	[bflag:$0x3] =	sbarrier.arrive $0xFFFF;
	s2 =	simm.s32 @!p0 $0x1C01  }
0x55: {  	[timem:s3], [sflag:s2] =	dma.local @!p0 [hbm:s0], s1  }
0x56: {  	s0 =	simm.s32 @!p0 $0x1  }
0x57: {  	_ =	swait.ge @!p0 [sflag:s0], s1  }
0x58: {  	s1 =	ssub.s32 @!p0 $0x0, s1;
	[sflag:s0] =	ssyncset.done @!p0 $0x0  }
0x59: {  	[sflag:s0] =	ssyncadd.s32 @!p0 s1  }
0x5a: {  	[bflag:$0x3] =	sbarrier.arrive $0xFFFF  }
0x5b: {  	_ =	shalt  }

// kernel: sparse-core-data-format-call.3.cloned.1.call-start
scs
called_computation.3_lowered:
.L_overlay_start_0:
0x0: {  	s2 =	sld [smem:$0x3FD9]  }
0x1: {  	s3 =	sld [smem:$0x3FFE];
	_ =	sdelay $0x1  }
0x2: {  	s1 =	srdreg.scid  }
0x3: {  	s0 =	sand.u32 $0x1, s1  }
0x4: {  	s18 =	sshll.u32 s0, $0xA;
	s2 =	sadd.s32 s3, s2  }
0x5: {  	s2 =	sadd.s32 s2, s18  }
0x6: {  	[smem:$0x3F9B] =	sst s2  }
0x7: {  	_ = 	snop  }
0x8: {  	(tm) =	ssettm $0x1  }
0x9: {  	s19 =	sld [smem:$0x3FFB];
	_ =	sdelay $0x3  }
0xa: {  	_ =	strace s19  }
0xb: {  	s2 =	sld [smem:$0x3FFC];
	_ =	sdelay $0x3  }
0xc: {  	_ =	strace s2  }
0xd: {  	s2 =	sld [smem:$0x3FFD];
	_ =	sdelay $0x3  }
0xe: {  	_ =	strace s2  }
0xf: {  	_ =	strace $0x8FFFFFFF  }
0x10: {  	s20 =	sld [smem:$0x3FDB];
	_ =	sdelay $0x1  }
0x11: {  	s21 =	simm.s32 $_scs_section_size  }
0x12: {  	s4 =	simm.s32 $_size__tile_overlayer_lowered;
	s5 =	simm.s32 $_tile_overlayer_lowered  }
0x13: {  	s6 =	simm.s32 $0x1BFF;
	s22 =	sshll.u32 s5, $0x1;
	s3 =	sadd.s32 s21, s20  }
0x14: {  	s23 =	simm.s32 $0x0;
	s4 =	sshll.u32 s4, $0x1;
	s5 =	sadd.s32 s22, s3  }
0x15: {  	[timem:s23], [sflag:s6] =	dma.local [hbm:s5], s4  }
0x16: {  	_ =	swait.ge [sflag:s6], s4  }
0x17: {  	s4 =	ssub.s32 $0x0, s4;
	[sflag:s6] =	ssyncset.done $0x0  }
0x18: {  	[sflag:s6] =	ssyncadd.s32 s4;
	_ =	sdelay $0x1  }
0x19: {  	s24 =	simm.s32 $0x1B8B  }
0x1a: {  	_ =	swait.ge [sflag:s24], $0x1  }
0x1b: {  	[sflag:s24] =	ssyncset.done $0x0  }
0x1c: {  	[sflag:s24] =	ssyncadd.s32 $0xFFFFFFFF  }
0x1d: {  	s4 =	sld [smem:$0x0]  }
0x1e: {  	s5 =	sand.u32 $0xFFFFFFFE, s1  }
0x1f: {  	p0 =	sne.s32 s1, s5  }
0x20: {  	s5 =	sshll.u32 @p0 s5, $0xE  }
0x21: {  	s5 =	sadd.s32 @p0 $0x11B8D, s5;
	s6 =	sshll.u32 @p0 s4, $0x11  }
0x22: {  	s5 =	sor.u32 @p0 s6, s5  }
0x23: {  	[sflag:s5] =	ssyncadd.remote.s32 @p0 $0x1;
	_ =	sdelay $0x1  }
0x24: {  	s5 =	simm.s32 @p0 $0x1B8D  }
0x25: {  	_ =	swait.eq @p0 [sflag:s5], $0x1  }
0x26: {  	[sflag:s5] =	ssyncadd.s32 @p0 $0xFFFFFFFF  }
0x27: {  	s6 =	sshll.u32 @!p0 s1, $0xE  }
0x28: {  	s6 =	sor.u32 @!p0 $0x4000, s6;
	s5 =	simm.s32 @!p0 $0x1B8D  }
0x29: {  	s4 =	sshll.u32 @!p0 s4, $0x11;
	s6 =	sadd.s32 @!p0 $0x11B8D, s6;
	_ =	swait.eq @!p0 [sflag:s5], $0x1  }
0x2a: {  	s4 =	sor.u32 @!p0 s4, s6;
	[sflag:s5] =	ssyncadd.s32 @!p0 $0xFFFFFFFF  }
0x2b: {  	s26 =	simm.s32 $0x1B8E;
	s25 =	sld [smem:$0x3FFE];
	[sflag:s4] =	ssyncadd.remote.s32 @!p0 $0x1  }
0x2c: {  	s27 =	simm.s32 $execute0_lowered;
	[smem:$0x3FD2] =	sst s26  }
0x2d: {  	s5 =	sshll.u32 s27, $0x1;
	_ =	strace $0x80000049;
	[dreg:$0x1] =	wrdreg $0xFFFFFFFF  }
0x2e: {  	s28 =	simm.s32 $_size_execute0_lowered;
	s3 =	sadd.s32 s3, s5;
	[dreg:$0x0] =	wrdreg $0x0  }
0x2f: {  	s5 =	sshll.u32 s28, $0x1;
	[dreg:$0x2] =	wrdreg s3  }
0x30: {  	[dreg:$0x3] =	wrdreg s5  }
0x31: {  	[dreg:$0x4] =	wrdreg $0xC0  }
0x32: {  	_ =	task [dreg:s23], $0x5FFFF  }
0x33: {  	[dreg:$0x1] =	wrdreg $0xFFFFFFFF  }
0x34: {  	[dreg:$0x0] =	wrdreg $0x60  }
0x35: {  	[dreg:$0x2] =	wrdreg s25  }
0x36: {  	[dreg:$0x3] =	wrdreg $0xA  }
0x37: {  	_ =	task.clear_ibuf [dreg:s23], $0x4FFFF;
	_ =	strace $0x90000049  }
0x38: {  	s29 =	simm.s32 $0xA;
	_ =	strace $0x8000004B  }
0x39: {  	_ =	swait.ge [sflag:s29], $0x1  }
0x3a: {  	[sflag:s29] =	ssyncadd.s32 $0xFFFFFFFF  }
0x3b: {  	_ =	strace $0x9000004B  }
0x3c: {  	_ =	sfence  }
0x3d: {  	s30 =	sld [smem:$0x0];
	_ =	sdelay $0x2  }
0x3e: {  	s31 =	sshll.u32 s1, $0xD;
	s1 =	sshrl.u32 s1, $0x2  }
0x3f: {  	s4 =	sand.u32 $0x4000, s31;
	s1 =	sadd.s32 s1, s30  }
0x40: {  	s0 =	sor.u32 s4, s0;
	s1 =	sshll.u32 s1, $0x11  }
0x41: {  	s0 =	sor.u32 s1, s0  }
0x42: {  	s0 =	sadd.s32 $0x8F2B, s0  }
0x43: {  	[sflag:s0] =	ssyncadd.remote.s32 $0x1  }
0x44: {  	_ =	sfence.sel $0xFFFF  }
0x45: {  	[dreg:$0x0] =	wrdreg $0xFFFFFFFF;
	(pc) =	sbr.abs _section_cstart, $3  }
0x46: {  	[dreg:$0x1] =	wrdreg $0xFFFFFFFF  }
0x47: {  	_ =	task.clear_ibuf [dreg:s23], $0x2FFFF;
	_ =	strace $0x9FFFFFFF  }
0x48: {  	(tm) =	ssettm $0x7FFFFFFF  }
0x49: {  	_ =	shalt  }
tec
execute0_lowered:
.L_overlay_start_1:
0x0: {  	(tag) =	ssettag $0x1  }
0x1: {  	s0 =	srdreg.scid;
	s4 =	rddreg [dreg:$0x0]  }
0x2: {  	s1 =	stileid.u32;
	s3 =	simm.s32 $0x1;
	s6 =	simm.s32 $0x2  }
0x3: {  	s9 =	simm.s32 $0x0;
	p0 =	por $0x0, $0x0;
	s0 =	sshll.u32 s0, $0x4  }
.Ltmp0:
0x4: {  	s10 =	simm.s32 $0x0;
	s2 =	sand.u32 $0x10, s0;
	(pc) =	sbr.rel .LBB1_1-.Ltmp0, $4  }
0x5: {  	s0 =	rddreg [dreg:$0x1];
	_ =	strace $0x8000004A;
	s2 =	sor.u32 s1, s2  }
0x6: {  	s8 =	simm.s32 $0x0;
	[sflag:s3] =	ssyncpa.u1 $0x0;
	s5 =	sshll.u32 s2, $0x4  }
0x7: {  	[sflag:s6] =	ssyncpa.u1 $0x0;
	s6 =	simm.s32 $0x14400;
	s5 =	sadd.s32 s5, s4  }
0x8: {  	s7 =	simm.s32 $0x0;
	s4 =	sadd.s32 $0x1166800, s4;
	s5 =	sadd.s32 $0xC66400, s5  }
.LBB1_5:
0x9: {  	s11 =	sadd.s32 $0x80, s8  }
0xa: {  	p1 =	slt.u32 s7, $0x2;
	s7 =	sadd.s32 $0x1, s7;
	p2 =	sgt.s32 s11, $0x2801  }
0xb: {  	s11 =	simm.s32 @p2 $0x0;
	p2 =	sne.s32 s7, $0x53  }
.Ltmp1:
0xc: {  	_ = 	snop;
	(pc) =	sbr.rel @!p2 .LBB1_6-.Ltmp1, $4  }
0xd: {  	s9 =	simm.s32 @!p1 $0x2  }
0xe: {  	_ =	swait.ge @!p1 [sflag:s9], $0x4000  }
0xf: {  	s10 =	smov.u32 s8;
	p0 =	por !p0, !p0;
	[sflag:s9] =	ssyncset.done @!p1 $0x0  }
0x10: {  	s8 =	smov.u32 s11;
	[sflag:s9] =	ssyncadd.s32 @!p1 $0xFFFFC000;
	s9 =	smov.u32 s2  }
.LBB1_1:
0x11: {  	p1 =	sgt.u32 s7, $0x50  }
0x12: {  	p2 =	sgt.s32 @!p1 s8, $0x2782  }
0x13: {  	s11 =	smov.u32 s8;
	s12 =	sshra.s32 @!p1 s8, $0x1F;
	p2 =	por !p2, p1  }
0x14: {  	s12 =	sand.u32 @!p1 s12, s8;
	s11 =	simm.s32 @p2 $0x2782  }
0x15: {  	s11 =	ssub.s32 @!p1 s11, s12  }
0x16: {  	s13 =	sxor.u32 @!p1 $0xFFFFFFFF, s7;
	s11 =	sadd.s32 @!p1 $0xFFFFD87E, s11  }
0x17: {  	s14 =	simm.s32 @!p1 $0x80;
	s15 =	simm.s32 @!p1 $0x1000;
	s12 =	sshll.u32 @!p1 s11, $0x7  }
0x18: {  	p2 =	sgt.s32 @!p1 s11, $0x7F;
	s11 =	ssub.s32 @!p1 $0x4000, s12;
	s12 =	sshll.u32 @!p1 s13, $0xE  }
0x19: {  	p2 =	por !p2, p1;
	s13 =	sshll.u32 @!p1 s8, $0x9;
	s11 =	sand.u32 @!p1 $0x3FFFFF80, s11  }
0x1a: {  	s12 =	sand.u32 @!p1 $0x4000, s12;
	s13 =	sadd.s32 @!p1 s13, s5;
	s11 =	simm.s32 @!p2 $0x0  }
0x1b: {  	[tilespmem:s12], [sflag:$0x1] =	stream.strided.gather @!p1 [hbm4b:s13+s14], s11, s15, s14, $0x38;
	[tilespmem:$0x10100] =	vst v63  }
0x1c: {  	p1 =	seq.s32 s7, $0x0  }
0x1d: {  	p2 =	seq.s32 @!p1 s7, $0x52  }
0x1e: {  	p1 =	por p1, p2  }
.Ltmp2:
0x1f: {  	_ = 	snop;
	(pc) =	sbr.rel @p1 .LBB1_5-.Ltmp2, $1  }
0x20: {  	_ =	sdelay $0x3  }
0x21: {  	p1 =	sgt.s32 s10, $0x2782;
	s11 =	smov.u32 s10;
	s12 =	sshra.s32 s10, $0x1F  }
0x22: {  	s11 =	simm.s32 @!p1 $0x2782;
	s12 =	sand.u32 s12, s10  }
0x23: {  	s11 =	ssub.s32 s11, s12  }
0x24: {  	s11 =	sadd.s32 $0xFFFFD87E, s11  }
0x25: {  	s29 =	sshll.u32 s11, $0x7  }
0x26: {  	s12 =	ssub.s32 $0x4000, s29  }
0x27: {  	p1 =	sgt.s32 s11, $0x7F;
	s11 =	sand.u32 $0x3FFFFF80, s12  }
0x28: {  	s12 =	simm.s32 $0x1;
	s11 =	simm.s32 @p1 $0x0  }
0x29: {  	s12 =	simm.s32 @!p0 $0x0;
	_ =	swait.ge [sflag:s3], s11  }
0x2a: {  	s13 =	sshll.u32 s12, $0xE;
	s11 =	ssub.s32 $0x0, s11;
	[sflag:s3] =	ssyncset.done $0x0  }
0x2b: {  	s14 =	sor.u32 $0x40, s13;
	[sflag:s3] =	ssyncadd.s32 s11  }
0x2c: {  	s30 =	smul.u32 $0x10200, s12;
	v0 =	vld [tilespmem:s14+$0x30]  }
0x2d: {  	v1 =	vld [tilespmem:s14+$0xFFFFFFD0]  }
0x2e: {  	s11 =	sshrl.u32 s30, $0x2;
	v5 =	vld [tilespmem:s14+$0xFFFFFFE0]  }
0x2f: {  	s12 =	sor.u32 $0x8000, s11;
	v6 =	vld [tilespmem:s14+$0xFFFFFFF0]  }
0x30: {  	s31 =	sand.u32 $0x1, s7;
	v3 =	vld [tilespmem:s14+$0x0];
	s13 =	sadd.s32 $0x0, s12  }
0x31: {  	s11 =	smul.u32 $0x10200, s31;
	v4 =	vld [tilespmem:s14+$0x10];
	[tilespmem:s13+$0x3870 ss:$0x81] =	vst.msk $0xffff, v0  }
0x32: {  	v2 =	vld [tilespmem:s14+$0x20];
	[tilespmem:s13+$0x810 ss:$0x81] =	vst.msk $0xffff, v1  }
0x33: {  	s11 =	sshrl.u32 s11, $0x2;
	v0 =	vld [tilespmem:s14+$0xFFFFFFC0];
	[tilespmem:s13+$0x1020 ss:$0x81] =	vst.msk $0xffff, v5;
	s14 =	sadd.s32 $0x80, s14  }
0x34: {  	s15 =	simm.s32 $0x4;
	s16 =	simm.s32 $0x8;
	s11 =	sor.u32 $0x8000, s11;
	[tilespmem:s13+$0x1830 ss:$0x81] =	vst.msk $0xffff, v6;
	v1 =	vld [tilespmem:s14+$0x30]  }
.LBB1_3:
0x35: {  	p1 =	sne.s32 s16, $0x1FC;
	v5 =	vld [tilespmem:s14+$0xFFFFFFD0];
	[tilespmem:s13+$0x2040 ss:$0x81] =	vst.msk $0xffff, v3  }
0x36: {  	v6 =	vld [tilespmem:s14+$0xFFFFFFE0];
	[tilespmem:s13+$0x2850 ss:$0x81] =	vst.msk $0xffff, v4  }
0x37: {  	s17 =	sshra.s32 s15, $0x2;
	s15 =	smov.u32 s16;
	v7 =	vld [tilespmem:s14+$0xFFFFFFF0];
	[tilespmem:s13+$0x3060 ss:$0x81] =	vst.msk $0xffff, v2  }
.Ltmp3:
0x38: {  	v3 =	vld [tilespmem:s14+$0x0];
	[tilespmem:s13+$0x0 ss:$0x81] =	vst.msk $0xffff, v0;
	s13 =	sadd.s32 s17, s12;
	(pc) =	sbr.rel @p1 .LBB1_3-.Ltmp3, $4  }
0x39: {  	v4 =	vld [tilespmem:s14+$0x10];
	[tilespmem:s13+$0x3870 ss:$0x81] =	vst.msk $0xffff, v1  }
0x3a: {  	[tilespmem:s13+$0x810 ss:$0x81] =	vst.msk $0xffff, v5;
	v2 =	vld [tilespmem:s14+$0x20]  }
0x3b: {  	v0 =	vld [tilespmem:s14+$0xFFFFFFC0];
	[tilespmem:s13+$0x1020 ss:$0x81] =	vst.msk $0xffff, v6;
	s14 =	sadd.s32 $0x80, s14  }
0x3c: {  	s16 =	sadd.s32 $0x4, s16;
	v1 =	vld [tilespmem:s14+$0x30];
	[tilespmem:s13+$0x1830 ss:$0x81] =	vst.msk $0xffff, v7  }
0x3d: {  	v5 =	vld [tilespmem:s14+$0xFFFFFFD0];
	[tilespmem:s13+$0x2040 ss:$0x81] =	vst.msk $0xffff, v3;
	s16 =	sshll.u32 s10, $0x3  }
0x3e: {  	v58 =	vld [tilespmem:s14+$0xFFFFFFE0];
	s24 =	sand.u32 $0x7F, s10;
	[tilespmem:s13+$0x2850 ss:$0x81] =	vst.msk $0xffff, v4;
	s16 =	sand.u32 $0xFFFFFC00, s16  }
0x3f: {  	s15 =	sshra.s32 s15, $0x2;
	v59 =	vld [tilespmem:s14+$0xFFFFFFF0];
	[tilespmem:s13+$0x3060 ss:$0x81] =	vst.msk $0xffff, v2;
	s10 =	sor.u32 s24, s16;
	s26 =	smulhi.u32 $0xCA4587E7, s16  }
0x40: {  	v60 =	vld [tilespmem:s14+$0x0];
	s12 =	sadd.s32 s15, s12;
	[tilespmem:s13+$0x0 ss:$0x81] =	vst.msk $0xffff, v0;
	s25 =	smulhi.u32 $0xCA4587E7, s10  }
0x41: {  	v61 =	vld [tilespmem:s14+$0x10];
	[tilespmem:s12+$0x3870 ss:$0x81] =	vst.msk $0xffff, v1  }
0x42: {  	v62 =	vld [tilespmem:s14+$0x20];
	s9 =	smul.u32 $0x28800, s9;
	s27 =	sshrl.u32 s26, $0xD;
	[tilespmem:s12+$0x810 ss:$0x81] =	vst.msk $0xffff, v5;
	s13 =	sshrl.u32 s25, $0xD  }
0x43: {  	v63 =	vld [tilespmem:s14+$0xFFFFFFC0];
	[tilespmem:s12+$0x1020 ss:$0x81] =	vst.msk $0xffff, v58;
	s14 =	sand.u32 $0x7F, s27;
	s13 =	smul.u32 $0x2880, s13  }
0x44: {  	[tilespmem:s12+$0x1830 ss:$0x81] =	vst.msk $0xffff, v59;
	s28 =	smul.u32 $0x510, s14  }
.Ltmp4:
0x45: {  	[tilespmem:s12+$0x2040 ss:$0x81] =	vst.msk $0xffff, v60;
	s10 =	ssub.s32 s10, s13;
	(pc) =	sbr.rel .LBB1_5-.Ltmp4, $4  }
0x46: {  	s9 =	sadd.s32 s4, s9;
	[tilespmem:s12+$0x2850 ss:$0x81] =	vst.msk $0xffff, v61;
	s29 =	sand.u32 $0x7, s10  }
0x47: {  	[tilespmem:s12+$0x3060 ss:$0x81] =	vst.msk $0xffff, v62;
	s9 =	sadd.s32 s28, s9;
	s10 =	sshrl.u32 s10, $0x3;
	s30 =	sshll.u32 s29, $0x12  }
0x48: {  	[tilespmem:s12+$0x0 ss:$0x81] =	vst.msk $0xffff, v63;
	s9 =	sadd.s32 s10, s9;
	s31 =	sor.u32 $0x400, s30  }
0x49: {  	[hbm4b:s9+s31] =	stream.strided.scatter [tilespmem:s11], [sflag:$0x2], $0x4000, s6, s31, $0x20;
	[tilespmem:$0x10100] =	vst v63  }
.LBB1_6:
0x4a: {  	_ =	sfence.sel $0x180000  }
0x4b: {  	s2 =	simm.s32 $0x1;
	[bflag:$0x0] =	sbarrier.arrive $0xFFFF  }
0x4c: {  	s31 =	simm.s32 $0x2;
	[sflag:s2] =	ssyncpa.u1 $0x1  }
0x4d: {  	[sflag:s31] =	ssyncpa.u1 $0x1  }
0x4e: {  	p0 =	sne.s32 s1, $0x0;
	_ =	strace $0x9000004A  }
0x4f: {  	s0 =	sadd.s32 @!p0 $0x100000, s0;
	[bflag:$0x2] =	sbarrier.arrive $0xFFFF  }
0x50: {  	[sflag:s0] =	ssyncadd.tile.s32 @!p0 $0x1;
	_ =	shalt  }
.Lfunc_end1:
_tile_overlayer_lowered:
.L_overlay_start_2:
0x51: {  	(tag) =	ssettag $0x2  }
0x52: {  	s0 =	rddreg [dreg:$0x0];
	s2 =	stileid.u32  }
0x53: {  	s1 =	rddreg [dreg:$0x1];
	p0 =	sne.s32 s2, $0x0  }
0x54: {  	s3 =	rddreg [dreg:$0x2];
	[bflag:$0x3] =	sbarrier.arrive $0xFFFF;
	s2 =	simm.s32 @!p0 $0x1C01  }
0x55: {  	[timem:s3], [sflag:s2] =	dma.local @!p0 [hbm:s0], s1  }
0x56: {  	s0 =	simm.s32 @!p0 $0x1  }
0x57: {  	_ =	swait.ge @!p0 [sflag:s0], s1  }
0x58: {  	s1 =	ssub.s32 @!p0 $0x0, s1;
	[sflag:s0] =	ssyncset.done @!p0 $0x0  }
0x59: {  	[sflag:s0] =	ssyncadd.s32 @!p0 s1  }
0x5a: {  	[bflag:$0x3] =	sbarrier.arrive $0xFFFF  }
0x5b: {  	_ =	shalt  }

// kernel: sparse-core-data-format-call.cloned.1.call-start
scs
called_computation_lowered:
.L_overlay_start_0:
0x0: {  	s1 =	sld [smem:$0x3FD9]  }
0x1: {  	s2 =	sld [smem:$0x3FFE];
	_ =	sdelay $0x1  }
0x2: {  	s3 =	srdreg.scid  }
0x3: {  	s0 =	sand.u32 $0x1, s3  }
0x4: {  	s17 =	sshll.u32 s0, $0xA;
	s1 =	sadd.s32 s2, s1  }
0x5: {  	s1 =	sadd.s32 s1, s17  }
0x6: {  	[smem:$0x3F9B] =	sst s1  }
0x7: {  	_ = 	snop  }
0x8: {  	(tm) =	ssettm $0x1  }
0x9: {  	s18 =	sld [smem:$0x3FFB];
	_ =	sdelay $0x3  }
0xa: {  	_ =	strace s18  }
0xb: {  	s1 =	sld [smem:$0x3FFC];
	_ =	sdelay $0x3  }
0xc: {  	_ =	strace s1  }
0xd: {  	s1 =	sld [smem:$0x3FFD];
	_ =	sdelay $0x3  }
0xe: {  	_ =	strace s1  }
0xf: {  	_ =	strace $0x8FFFFFFF  }
0x10: {  	s19 =	sld [smem:$0x3FDB];
	_ =	sdelay $0x1  }
0x11: {  	s20 =	simm.s32 $_scs_section_size  }
0x12: {  	s4 =	simm.s32 $_size__tile_overlayer_lowered;
	s5 =	simm.s32 $_tile_overlayer_lowered  }
0x13: {  	s23 =	simm.s32 $0x1BFF;
	s22 =	sshll.u32 s5, $0x1;
	s1 =	sadd.s32 s20, s19  }
0x14: {  	s6 =	simm.s32 $0x0;
	s21 =	sshll.u32 s4, $0x1;
	s4 =	sadd.s32 s22, s1  }
0x15: {  	[timem:s6], [sflag:s23] =	dma.local [hbm:s4], s21  }
0x16: {  	_ =	swait.ge [sflag:s23], s21  }
0x17: {  	s2 =	ssub.s32 $0x0, s21;
	[sflag:s23] =	ssyncset.done $0x0  }
0x18: {  	[sflag:s23] =	ssyncadd.s32 s2;
	_ =	sdelay $0x1  }
0x19: {  	s24 =	simm.s32 $0x1B8B  }
0x1a: {  	_ =	swait.ge [sflag:s24], $0x1  }
0x1b: {  	[sflag:s24] =	ssyncset.done $0x0  }
0x1c: {  	s26 =	simm.s32 $0x1B8E;
	s25 =	sld [smem:$0x3FFE];
	[sflag:s24] =	ssyncadd.s32 $0xFFFFFFFF  }
0x1d: {  	s27 =	simm.s32 $execute0_lowered;
	[smem:$0x3FD2] =	sst s26  }
0x1e: {  	s4 =	sshll.u32 s27, $0x1;
	_ =	strace $0x8000004C;
	[dreg:$0x1] =	wrdreg $0xFFFFFFFF  }
0x1f: {  	s28 =	simm.s32 $_size_execute0_lowered;
	s1 =	sadd.s32 s1, s4;
	[dreg:$0x0] =	wrdreg $0x0  }
0x20: {  	s4 =	sshll.u32 s28, $0x1;
	[dreg:$0x2] =	wrdreg s1  }
0x21: {  	[dreg:$0x3] =	wrdreg s4  }
0x22: {  	[dreg:$0x4] =	wrdreg $0xC0  }
0x23: {  	_ =	task [dreg:s6], $0x5FFFF  }
0x24: {  	[dreg:$0x1] =	wrdreg $0xFFFFFFFF  }
0x25: {  	[dreg:$0x0] =	wrdreg $0x60  }
0x26: {  	[dreg:$0x2] =	wrdreg s25  }
0x27: {  	[dreg:$0x3] =	wrdreg $0x9  }
0x28: {  	_ =	task.clear_ibuf [dreg:s6], $0x4FFFF;
	_ =	strace $0x9000004C  }
0x29: {  	s29 =	simm.s32 $0x9;
	_ =	strace $0x8000004E  }
0x2a: {  	_ =	swait.ge [sflag:s29], $0x1  }
0x2b: {  	[sflag:s29] =	ssyncadd.s32 $0xFFFFFFFF  }
0x2c: {  	_ =	strace $0x9000004E  }
0x2d: {  	_ =	sfence  }
0x2e: {  	s30 =	sld [smem:$0x0];
	_ =	sdelay $0x2  }
0x2f: {  	s31 =	sshll.u32 s3, $0xD;
	s3 =	sshrl.u32 s3, $0x2  }
0x30: {  	s2 =	sand.u32 $0x4000, s31;
	s1 =	sadd.s32 s3, s30  }
0x31: {  	s0 =	sor.u32 s2, s0;
	s1 =	sshll.u32 s1, $0x11  }
0x32: {  	s0 =	sor.u32 s1, s0  }
0x33: {  	s0 =	sadd.s32 $0x8F2B, s0  }
0x34: {  	[sflag:s0] =	ssyncadd.remote.s32 $0x1  }
0x35: {  	_ =	sfence.sel $0xFFFF  }
0x36: {  	[dreg:$0x0] =	wrdreg $0xFFFFFFFF;
	(pc) =	sbr.abs _section_cstart, $3  }
0x37: {  	[dreg:$0x1] =	wrdreg $0xFFFFFFFF  }
0x38: {  	_ =	task.clear_ibuf [dreg:s6], $0x2FFFF;
	_ =	strace $0x9FFFFFFF  }
0x39: {  	(tm) =	ssettm $0x7FFFFFFF  }
tec
execute0_lowered:
.L_overlay_start_1:
0x0: {  	(tag) =	ssettag $0x1  }
0x1: {  	s0 =	srdreg.scid;
	s3 =	rddreg [dreg:$0x0]  }
0x2: {  	s5 =	simm.s32 $0x1;
	s6 =	simm.s32 $0x2;
	s1 =	sshll.u32 s0, $0x4  }
0x3: {  	s12 =	simm.s32 $0x0;
	s0 =	stileid.u32;
	s1 =	sand.u32 $0x10, s1  }
0x4: {  	p0 =	por $0x0, $0x0;
	s9 =	simm.s32 $0x61C00;
	s1 =	sor.u32 s0, s1  }
0x5: {  	s13 =	simm.s32 $0x0;
	s31 =	sshll.u32 s0, $0x7;
	s2 =	sshrl.u32 s1, $0x2  }
.Ltmp0:
0x6: {  	s1 =	rddreg [dreg:$0x1];
	s4 =	sshll.u32 s2, $0x4;
	(pc) =	sbr.rel .LBB1_1-.Ltmp0, $4  }
0x7: {  	_ =	strace $0x8000004D;
	s7 =	sadd.s32 s4, s3;
	s4 =	sand.u32 $0x180, s31  }
0x8: {  	s11 =	simm.s32 $0x0;
	[sflag:s5] =	ssyncpa.u1 $0x0;
	s8 =	ssub.s32 $0xC300, s4  }
0x9: {  	s3 =	sadd.s32 $0x6B1000, s3;
	[sflag:s6] =	ssyncpa.u1 $0x0;
	s6 =	sshrl.u32 s8, $0x9  }
0xa: {  	s7 =	sadd.s32 $0x96800, s7;
	s10 =	smov.u32 s4;
	s8 =	sor.u32 $0x2, s6  }
.LBB1_5:
0xb: {  	s14 =	sadd.s32 $0x200, s10  }
0xc: {  	p2 =	sgt.s32 s14, $0xC34F  }
0xd: {  	s14 =	smov.u32 @p2 s4;
	p2 =	sne.s32 s11, s8  }
.Ltmp1:
0xe: {  	p1 =	slt.u32 s11, $0x2;
	(pc) =	sbr.rel @!p2 .LBB1_6-.Ltmp1, $4  }
0xf: {  	s12 =	simm.s32 @!p1 $0x2  }
0x10: {  	s15 =	sadd.s32 $0x1, s11;
	s13 =	smov.u32 s10;
	_ =	swait.ge @!p1 [sflag:s12], $0x4000  }
0x11: {  	p0 =	por !p0, !p0;
	s11 =	smov.u32 s15;
	[sflag:s12] =	ssyncset.done @!p1 $0x0  }
0x12: {  	s10 =	smov.u32 s14;
	[sflag:s12] =	ssyncadd.s32 @!p1 $0xFFFFC000;
	s12 =	smov.u32 s2  }
.LBB1_1:
0x13: {  	p1 =	sgt.u32 s11, s6  }
0x14: {  	p2 =	sgt.s32 @!p1 s10, $0xC2D0  }
0x15: {  	s14 =	smov.u32 s10;
	s15 =	sshra.s32 @!p1 s10, $0x1F;
	p2 =	por !p2, p1  }
0x16: {  	s15 =	sand.u32 @!p1 s15, s10;
	s14 =	simm.s32 @p2 $0xC2D0  }
0x17: {  	s14 =	ssub.s32 @!p1 s14, s15  }
0x18: {  	s16 =	sxor.u32 @!p1 $0xFFFFFFFF, s11;
	s14 =	sadd.s32 @!p1 $0xFFFF3D30, s14  }
0x19: {  	s17 =	simm.s32 @!p1 $0x80;
	s18 =	simm.s32 @!p1 $0x400;
	s15 =	sshll.u32 @!p1 s14, $0x7  }
0x1a: {  	p2 =	sgt.s32 @!p1 s14, $0x7F;
	s14 =	ssub.s32 @!p1 $0x4000, s15;
	s15 =	sshll.u32 @!p1 s16, $0xE  }
0x1b: {  	p2 =	por !p2, p1;
	s16 =	sshll.u32 @!p1 s10, $0x7;
	s14 =	sand.u32 @!p1 $0x3FFFFF80, s14  }
0x1c: {  	s15 =	sand.u32 @!p1 $0x4000, s15;
	s16 =	sadd.s32 @!p1 s16, s7;
	s14 =	simm.s32 @!p2 $0x0  }
0x1d: {  	[tilespmem:s15], [sflag:$0x1] =	stream.strided.gather @!p1 [hbm4b:s16+s17], s14, s18, s17, $0x38;
	[tilespmem:$0x10100] =	vst v63  }
0x1e: {  	p1 =	seq.s32 s11, $0x0  }
0x1f: {  	p2 =	sge.u32 @!p1 s11, s8  }
0x20: {  	p1 =	por p1, p2  }
.Ltmp2:
0x21: {  	_ = 	snop;
	(pc) =	sbr.rel @p1 .LBB1_5-.Ltmp2, $1  }
0x22: {  	_ =	sdelay $0x3  }
0x23: {  	p1 =	sgt.s32 s13, $0xC2D0;
	s14 =	smov.u32 s13;
	s15 =	sshra.s32 s13, $0x1F  }
0x24: {  	s14 =	simm.s32 @!p1 $0xC2D0;
	s15 =	sand.u32 s15, s13  }
0x25: {  	s14 =	ssub.s32 s14, s15  }
0x26: {  	s14 =	sadd.s32 $0xFFFF3D30, s14  }
0x27: {  	s29 =	sshll.u32 s14, $0x7  }
0x28: {  	s15 =	ssub.s32 $0x4000, s29  }
0x29: {  	p1 =	sgt.s32 s14, $0x7F;
	s14 =	sand.u32 $0x3FFFFF80, s15  }
0x2a: {  	s15 =	simm.s32 $0x1;
	s14 =	simm.s32 @p1 $0x0  }
0x2b: {  	s15 =	simm.s32 @!p0 $0x0;
	_ =	swait.ge [sflag:s5], s14  }
0x2c: {  	s16 =	sshll.u32 s15, $0xE;
	s14 =	ssub.s32 $0x0, s14;
	[sflag:s5] =	ssyncset.done $0x0  }
0x2d: {  	s17 =	sor.u32 $0x40, s16;
	[sflag:s5] =	ssyncadd.s32 s14  }
0x2e: {  	s30 =	smul.u32 $0x10200, s15;
	v0 =	vld [tilespmem:s17+$0x30]  }
0x2f: {  	v1 =	vld [tilespmem:s17+$0xFFFFFFD0]  }
0x30: {  	s14 =	sshrl.u32 s30, $0x2;
	v5 =	vld [tilespmem:s17+$0xFFFFFFE0]  }
0x31: {  	s15 =	sor.u32 $0x8000, s14;
	v6 =	vld [tilespmem:s17+$0xFFFFFFF0]  }
0x32: {  	s31 =	sand.u32 $0x1, s11;
	v3 =	vld [tilespmem:s17+$0x0];
	s16 =	sadd.s32 $0x0, s15  }
0x33: {  	s14 =	smul.u32 $0x10200, s31;
	v4 =	vld [tilespmem:s17+$0x10];
	[tilespmem:s16+$0x3870 ss:$0x81] =	vst.msk $0xffff, v0  }
0x34: {  	v2 =	vld [tilespmem:s17+$0x20];
	[tilespmem:s16+$0x810 ss:$0x81] =	vst.msk $0xffff, v1  }
0x35: {  	s14 =	sshrl.u32 s14, $0x2;
	v0 =	vld [tilespmem:s17+$0xFFFFFFC0];
	[tilespmem:s16+$0x1020 ss:$0x81] =	vst.msk $0xffff, v5;
	s17 =	sadd.s32 $0x80, s17  }
0x36: {  	s18 =	simm.s32 $0x4;
	s19 =	simm.s32 $0x8;
	s14 =	sor.u32 $0x8000, s14;
	[tilespmem:s16+$0x1830 ss:$0x81] =	vst.msk $0xffff, v6;
	v1 =	vld [tilespmem:s17+$0x30]  }
.LBB1_3:
0x37: {  	p1 =	sne.s32 s19, $0x1FC;
	v5 =	vld [tilespmem:s17+$0xFFFFFFD0];
	[tilespmem:s16+$0x2040 ss:$0x81] =	vst.msk $0xffff, v3  }
0x38: {  	v6 =	vld [tilespmem:s17+$0xFFFFFFE0];
	[tilespmem:s16+$0x2850 ss:$0x81] =	vst.msk $0xffff, v4  }
0x39: {  	s20 =	sshra.s32 s18, $0x2;
	s18 =	smov.u32 s19;
	v7 =	vld [tilespmem:s17+$0xFFFFFFF0];
	[tilespmem:s16+$0x3060 ss:$0x81] =	vst.msk $0xffff, v2  }
.Ltmp3:
0x3a: {  	v3 =	vld [tilespmem:s17+$0x0];
	[tilespmem:s16+$0x0 ss:$0x81] =	vst.msk $0xffff, v0;
	s16 =	sadd.s32 s20, s15;
	(pc) =	sbr.rel @p1 .LBB1_3-.Ltmp3, $4  }
0x3b: {  	v4 =	vld [tilespmem:s17+$0x10];
	[tilespmem:s16+$0x3870 ss:$0x81] =	vst.msk $0xffff, v1  }
0x3c: {  	[tilespmem:s16+$0x810 ss:$0x81] =	vst.msk $0xffff, v5;
	v2 =	vld [tilespmem:s17+$0x20]  }
0x3d: {  	v0 =	vld [tilespmem:s17+$0xFFFFFFC0];
	[tilespmem:s16+$0x1020 ss:$0x81] =	vst.msk $0xffff, v6;
	s17 =	sadd.s32 $0x80, s17  }
0x3e: {  	s19 =	sadd.s32 $0x4, s19;
	v1 =	vld [tilespmem:s17+$0x30];
	[tilespmem:s16+$0x1830 ss:$0x81] =	vst.msk $0xffff, v7  }
0x3f: {  	v5 =	vld [tilespmem:s17+$0xFFFFFFD0];
	[tilespmem:s16+$0x2040 ss:$0x81] =	vst.msk $0xffff, v3;
	s19 =	sshll.u32 s13, $0x3  }
0x40: {  	v58 =	vld [tilespmem:s17+$0xFFFFFFE0];
	s24 =	sand.u32 $0x7F, s13;
	[tilespmem:s16+$0x2850 ss:$0x81] =	vst.msk $0xffff, v4;
	s19 =	sand.u32 $0xFFFFFC00, s19  }
0x41: {  	s18 =	sshra.s32 s18, $0x2;
	v59 =	vld [tilespmem:s17+$0xFFFFFFF0];
	[tilespmem:s16+$0x3060 ss:$0x81] =	vst.msk $0xffff, v2;
	s13 =	sor.u32 s24, s19;
	s26 =	smulhi.u32 $0xA79C7B17, s19  }
0x42: {  	v60 =	vld [tilespmem:s17+$0x0];
	s15 =	sadd.s32 s18, s15;
	[tilespmem:s16+$0x0 ss:$0x81] =	vst.msk $0xffff, v0;
	s25 =	smulhi.u32 $0xA79C7B17, s13  }
0x43: {  	v61 =	vld [tilespmem:s17+$0x10];
	[tilespmem:s15+$0x3870 ss:$0x81] =	vst.msk $0xffff, v1  }
0x44: {  	v62 =	vld [tilespmem:s17+$0x20];
	s12 =	smul.u32 $0xC3800, s12;
	s27 =	sshrl.u32 s26, $0xF;
	[tilespmem:s15+$0x810 ss:$0x81] =	vst.msk $0xffff, v5;
	s16 =	sshrl.u32 s25, $0xF  }
0x45: {  	v63 =	vld [tilespmem:s17+$0xFFFFFFC0];
	[tilespmem:s15+$0x1020 ss:$0x81] =	vst.msk $0xffff, v58;
	s17 =	sand.u32 $0x7F, s27;
	s16 =	smul.u32 $0xC380, s16  }
0x46: {  	[tilespmem:s15+$0x1830 ss:$0x81] =	vst.msk $0xffff, v59;
	s28 =	smul.u32 $0x1870, s17  }
.Ltmp4:
0x47: {  	[tilespmem:s15+$0x2040 ss:$0x81] =	vst.msk $0xffff, v60;
	s13 =	ssub.s32 s13, s16;
	(pc) =	sbr.rel .LBB1_5-.Ltmp4, $4  }
0x48: {  	s12 =	sadd.s32 s3, s12;
	[tilespmem:s15+$0x2850 ss:$0x81] =	vst.msk $0xffff, v61;
	s29 =	sand.u32 $0x7, s13  }
0x49: {  	[tilespmem:s15+$0x3060 ss:$0x81] =	vst.msk $0xffff, v62;
	s12 =	sadd.s32 s28, s12;
	s13 =	sshrl.u32 s13, $0x3;
	s30 =	sshll.u32 s29, $0x12  }
0x4a: {  	[tilespmem:s15+$0x0 ss:$0x81] =	vst.msk $0xffff, v63;
	s12 =	sadd.s32 s13, s12;
	s31 =	sor.u32 $0x400, s30  }
0x4b: {  	[hbm4b:s12+s31] =	stream.strided.scatter [tilespmem:s14], [sflag:$0x2], $0x4000, s9, s31, $0x20;
	[tilespmem:$0x10100] =	vst v63  }
.LBB1_6:
0x4c: {  	_ =	sfence.sel $0x180000  }
0x4d: {  	s2 =	simm.s32 $0x1;
	[bflag:$0x0] =	sbarrier.arrive $0xFFFF  }
0x4e: {  	s31 =	simm.s32 $0x2;
	[sflag:s2] =	ssyncpa.u1 $0x1  }
0x4f: {  	[sflag:s31] =	ssyncpa.u1 $0x1  }
0x50: {  	p0 =	sne.s32 s0, $0x0;
	_ =	strace $0x9000004D  }
0x51: {  	s0 =	sadd.s32 @!p0 $0x100000, s1;
	[bflag:$0x2] =	sbarrier.arrive $0xFFFF  }
0x52: {  	[sflag:s0] =	ssyncadd.tile.s32 @!p0 $0x1;
	_ =	shalt  }
.Lfunc_end1:
_tile_overlayer_lowered:
.L_overlay_start_2:
0x53: {  	(tag) =	ssettag $0x2  }
0x54: {  	s0 =	rddreg [dreg:$0x0];
	s2 =	stileid.u32  }
0x55: {  	s1 =	rddreg [dreg:$0x1];
	p0 =	sne.s32 s2, $0x0  }
0x56: {  	s3 =	rddreg [dreg:$0x2];
	[bflag:$0x3] =	sbarrier.arrive $0xFFFF;
	s2 =	simm.s32 @!p0 $0x1C01  }
0x57: {  	[timem:s3], [sflag:s2] =	dma.local @!p0 [hbm:s0], s1  }
0x58: {  	s0 =	simm.s32 @!p0 $0x1  }
0x59: {  	_ =	swait.ge @!p0 [sflag:s0], s1  }
0x5a: {  	s1 =	ssub.s32 @!p0 $0x0, s1;
	[sflag:s0] =	ssyncset.done @!p0 $0x0  }
0x5b: {  	[sflag:s0] =	ssyncadd.s32 @!p0 s1  }
0x5c: {  	[bflag:$0x3] =	sbarrier.arrive $0xFFFF  }
0x5d: {  	_ =	shalt  }

</sc_bundles>
